<compile_context>
chip_gen: v7x
topology: tpu7x:2x2x1
jax: 0.10.2.dev20260603
libtpu: 0.0.44.dev20260713+nightly
codegen_flags: <defaults>
</compile_context>

<pallas_src>
import jax
import jax.numpy as jnp
from jax import lax
from jax.experimental import pallas as pl
from jax.experimental.pallas import tpu as pltpu
from jax.experimental.pallas import tpu_sc as plsc

N_POINTS = 2000000
N_CTRL = 4096

NC = 2
NS = 16
NW = NC * NS
LANES = 16

VEC_BASE = 3906
CHUNK_V = 651
NCHUNKS = 6
CHUNK_P = CHUNK_V * LANES

DX = 2.0 / (N_CTRL - 3)
ORIGIN = -1.0 - DX
INV_DX = (N_CTRL - 3) / 2.0
SIXTH = 1.0 / 6.0
TWO_THIRDS = 2.0 / 3.0


def _sc_body(x_hbm, phi_hbm, out_hbm, phi_v, x0, x1, o0, o1,
             si0, si1, so0, so1):
    wid = lax.axis_index("s") * NC + lax.axis_index("c")
    base = VEC_BASE * LANES * wid + LANES * jnp.minimum(wid, 8)

    xb = [x0, x1]
    ob = [o0, o1]
    sin = [si0, si1]
    sout = [so0, so1]

    in_descs = [None, None]
    out_descs = [None, None]
    in_descs[0] = pltpu.async_copy(x_hbm.at[pl.ds(base, CHUNK_P)], x0, si0)

    pltpu.sync_copy(phi_hbm, phi_v)

    def spline_vec(xv):
        t = (xv - ORIGIN) - DX
        s = t * INV_DX
        ind = s.astype(jnp.int32)
        u = s - ind.astype(jnp.float32)
        ind = jnp.minimum(jnp.maximum(ind, 0), N_CTRL - 4)
        u2 = u * u
        u3 = u2 * u
        w3 = u3 * SIXTH
        w1 = (0.5 * u3 - u2) + TWO_THIRDS
        w0 = (SIXTH - w3) + 0.5 * (u2 - u)
        w2 = 1.0 - ((w0 + w1) + w3)
        acc = w0 * plsc.load_gather(phi_v, [ind])
        acc = acc + w1 * plsc.load_gather(phi_v, [ind + 1])
        acc = acc + w2 * plsc.load_gather(phi_v, [ind + 2])
        acc = acc + w3 * plsc.load_gather(phi_v, [ind + 3])
        return acc

    for c in range(NCHUNKS):
        b = c & 1
        if c + 1 < NCHUNKS:
            nb = (c + 1) & 1
            in_descs[nb] = pltpu.async_copy(
                x_hbm.at[pl.ds(base + (c + 1) * CHUNK_P, CHUNK_P)],
                xb[nb], sin[nb])
        in_descs[b].wait()
        if c >= 2:
            out_descs[b].wait()

        x_ref = xb[b]
        o_ref = ob[b]

        def vec_body(j, _, x_ref=x_ref, o_ref=o_ref):
            o_ref[pl.ds(j * LANES, LANES)] = spline_vec(
                x_ref[pl.ds(j * LANES, LANES)])
            return 0

        lax.fori_loop(0, CHUNK_V, vec_body, 0)
        out_descs[b] = pltpu.async_copy(
            ob[b], out_hbm.at[pl.ds(base + c * CHUNK_P, CHUNK_P)], sout[b])

    out_descs[0].wait()
    out_descs[1].wait()

    @pl.when(wid < 8)
    def _tail():
        off = base + VEC_BASE * LANES
        pltpu.sync_copy(x_hbm.at[pl.ds(off, LANES)], x0.at[pl.ds(0, LANES)])
        o0[pl.ds(0, LANES)] = spline_vec(x0[pl.ds(0, LANES)])
        pltpu.sync_copy(o0.at[pl.ds(0, LANES)], out_hbm.at[pl.ds(off, LANES)])


@jax.jit
def kernel(x, phi_x):
    mesh = plsc.VectorSubcoreMesh(core_axis_name="c", subcore_axis_name="s")
    run = pl.kernel(
        _sc_body,
        out_type=jax.ShapeDtypeStruct((N_POINTS,), jnp.float32),
        mesh=mesh,
        scratch_types=[
            pltpu.VMEM((N_CTRL,), jnp.float32),
            pltpu.VMEM((CHUNK_P,), jnp.float32),
            pltpu.VMEM((CHUNK_P,), jnp.float32),
            pltpu.VMEM((CHUNK_P,), jnp.float32),
            pltpu.VMEM((CHUNK_P,), jnp.float32),
            pltpu.SemaphoreType.DMA,
            pltpu.SemaphoreType.DMA,
            pltpu.SemaphoreType.DMA,
            pltpu.SemaphoreType.DMA,
        ],
        compiler_params=pltpu.CompilerParams(needs_layout_passes=False),
    )
    return run(x, phi_x)

# --- scband reference (transcript-rebuilt; emitter-appended) ---
"""Pipeline reference for scband-bspline-field1d-42391327212038 (READ-ONLY COPY).

The authoritative reference and input builder live on the scoring server;
editing this copy changes nothing except your own understanding.
"""

import jax, jax.numpy as jnp
import numpy as np

N_POINTS = 2000000
N_CTRL = 4096


def bspline(u, i):
    if i == 0:
        return (1 - u) ** 3 / 6
    elif i == 1:
        return (3 * u ** 3 - 6 * u ** 2 + 4) / 6
    elif i == 2:
        return (-3 * u ** 3 + 3 * u ** 2 + 3 * u + 1) / 6
    elif i == 3:
        return u ** 3 / 6
    else:
        raise ValueError(f'Invalid B-spline index {i}')


def setup_inputs(seed: int = 0) -> dict:
    key = jax.random.key(seed)
    k1, k2 = jax.random.split(key)
    # x: fill=rand, uniform [0,1) which lies inside the default support [-1, 1]
    x = jax.random.uniform(k1, (N_POINTS,), dtype=jnp.float32)
    # learned parameter: control point values phi_x, sized per num_control_points=4096
    phi_x = jax.random.normal(k2, (N_CTRL,), dtype=jnp.float32)
    return {"x": x, "phi_x": phi_x}


def reference(x, phi_x):
    # BSplineField1d with support_range=None, support_outside=True,
    # displacement_method='neighborhood'
    ncp = phi_x.shape[0]
    dx = 2.0 / (ncp - 3)
    origin = -1.0 - dx
    t = x - origin - dx
    indices = jnp.floor(t / dx).astype(jnp.int32)
    u = t / dx - indices.astype(x.dtype)
    out = jnp.zeros_like(x)
    for i in range(4):
        # support_outside=True -> clamp neighbor indices into table range
        inds_loc = jnp.clip(indices + i, 0, ncp - 1)
        out = out + bspline(u, i) * jnp.take(phi_x, inds_loc, axis=0)
    return out

if __name__ == "__main__":
    import jax
    _d = setup_inputs()
    print(jax.jit(kernel)(*tuple(_d.values())))

</pallas_src>

<mosaic_0001>
#map = affine_map<(d0, d1) -> (0)>
module attributes {stable_mosaic.version = 14 : i64} {
  func.func @_sc_body(%arg0: i32, %arg1: i32, %arg2: memref<2000000xf32, #tpu.memory_space<hbm>>, %arg3: memref<4096xf32, #tpu.memory_space<hbm>>, %arg4: memref<2000000xf32, #tpu.memory_space<hbm>>, %arg5: memref<4096xf32, #tpu.memory_space<vmem>>, %arg6: memref<10416xf32, #tpu.memory_space<vmem>>, %arg7: memref<10416xf32, #tpu.memory_space<vmem>>, %arg8: memref<10416xf32, #tpu.memory_space<vmem>>, %arg9: memref<10416xf32, #tpu.memory_space<vmem>>, %arg10: memref<!tpu.dma_semaphore, #tpu.memory_space<semaphore_mem>>, %arg11: memref<!tpu.dma_semaphore, #tpu.memory_space<semaphore_mem>>, %arg12: memref<!tpu.dma_semaphore, #tpu.memory_space<semaphore_mem>>, %arg13: memref<!tpu.dma_semaphore, #tpu.memory_space<semaphore_mem>>) attributes {dimension_semantics = [#tpu.dimension_semantics<core_parallel>, #tpu.dimension_semantics<subcore_parallel>], iteration_bounds = array<i64: 2, 16>, scalar_prefetch = 0 : i64, scratch_operands = 9 : i64, tpu.core_type = #tpu.core_type<sc_vector_subcore>, window_params = [{transform_indices = #map}, {transform_indices = #map}, {transform_indices = #map}]} {
    %mul3A = arith.constant 2 : i32
    %mul3A_0 = arith.muli %arg1, %mul3A : i32
    %add3A = arith.addi %mul3A_0, %arg0 : i32
    %mul3A_1 = arith.constant 62496 : i32
    %mul3A_2 = arith.muli %mul3A_1, %add3A : i32
    %min3A = arith.constant 8 : i32
    %min3A_3 = arith.minsi %add3A, %min3A : i32
    %mul3A_4 = arith.constant 16 : i32
    %mul3A_5 = arith.muli %mul3A_4, %min3A_3 : i32
    %add3A_6 = arith.addi %mul3A_2, %mul3A_5 : i32
    %dma_start3A = tpu.memref_slice %arg2[%add3A_6] : memref<2000000xf32, #tpu.memory_space<hbm>> -> memref<10416xf32, #tpu.memory_space<hbm>>
    %dma_start3A_7 = tpu.memref_slice %arg2[%add3A_6] : memref<2000000xf32, #tpu.memory_space<hbm>> -> memref<10416xf32, #tpu.memory_space<hbm>>
    tpu.enqueue_dma source(%dma_start3A_7 : memref<10416xf32, #tpu.memory_space<hbm>>) target(%arg6 : memref<10416xf32, #tpu.memory_space<vmem>>) target_semaphore(%arg10 : memref<!tpu.dma_semaphore, #tpu.memory_space<semaphore_mem>>)
    "tpu.region"() ({
      %run_scoped3A = tpu.sem_alloc : memref<!tpu.dma_semaphore, #tpu.memory_space<semaphore_mem>>
      tpu.enqueue_dma source(%arg3 : memref<4096xf32, #tpu.memory_space<hbm>>) target(%arg5 : memref<4096xf32, #tpu.memory_space<vmem>>) target_semaphore(%run_scoped3A : memref<!tpu.dma_semaphore, #tpu.memory_space<semaphore_mem>>)
      tpu.wait_dma2 semaphore(%run_scoped3A : memref<!tpu.dma_semaphore, #tpu.memory_space<semaphore_mem>>) src(%arg3 : memref<4096xf32, #tpu.memory_space<hbm>>) dst(%arg5 : memref<4096xf32, #tpu.memory_space<vmem>>)
      tpu.yield
    }) : () -> ()
    %add3A_8 = arith.constant 10416 : i32
    %add3A_9 = arith.addi %add3A_6, %add3A_8 : i32
    %dma_start3A_10 = tpu.memref_slice %arg2[%add3A_9] : memref<2000000xf32, #tpu.memory_space<hbm>> -> memref<10416xf32, #tpu.memory_space<hbm>>
    %dma_start3A_11 = tpu.memref_slice %arg2[%add3A_9] : memref<2000000xf32, #tpu.memory_space<hbm>> -> memref<10416xf32, #tpu.memory_space<hbm>>
    tpu.enqueue_dma source(%dma_start3A_11 : memref<10416xf32, #tpu.memory_space<hbm>>) target(%arg7 : memref<10416xf32, #tpu.memory_space<vmem>>) target_semaphore(%arg11 : memref<!tpu.dma_semaphore, #tpu.memory_space<semaphore_mem>>)
    %dma_wait3A = tpu.memref_slice %arg2[%add3A_6] : memref<2000000xf32, #tpu.memory_space<hbm>> -> memref<10416xf32, #tpu.memory_space<hbm>>
    %dma_wait3A_12 = tpu.memref_slice %arg2[%add3A_6] : memref<2000000xf32, #tpu.memory_space<hbm>> -> memref<10416xf32, #tpu.memory_space<hbm>>
    tpu.wait_dma2 semaphore(%arg10 : memref<!tpu.dma_semaphore, #tpu.memory_space<semaphore_mem>>) src(%dma_wait3A_12 : memref<10416xf32, #tpu.memory_space<hbm>>) dst(%arg6 : memref<10416xf32, #tpu.memory_space<vmem>>)
    %scan3A = arith.constant 0 : i32
    %scan3A_13 = arith.constant 0 : i32
    %scan3A_14 = arith.constant 651 : i32
    %scan3A_15 = arith.addi %scan3A_13, %scan3A_14 : i32
    %scan3A_16 = arith.constant 1 : i32
    %scan3A_17 = scf.for %scan3A_118 = %scan3A_13 to %scan3A_15 step %scan3A_16 iter_args(%scan3A_119 = %scan3A) -> (i32)  : i32 {
      %mul3A_120 = arith.constant 16 : i32
      %mul3A_121 = arith.muli %scan3A_118, %mul3A_120 : i32
      %get3A = arith.index_cast %mul3A_121 : i32 to index
      %get3A_122 = tpu.vector_load %arg6[%get3A] {strides = array<i32>} : memref<10416xf32, #tpu.memory_space<vmem>>, vector<16xf32>,
      %sub3A = arith.constant -1.00048864 : f32
      %sub3A_123 = vector.broadcast %sub3A : f32 to vector<16xf32>
      %sub3A_124 = arith.subf %get3A_122, %sub3A_123 : vector<16xf32>
      %sub3A_125 = arith.constant 4.88639169E-4 : f32
      %sub3A_126 = vector.broadcast %sub3A_125 : f32 to vector<16xf32>
      %sub3A_127 = arith.subf %sub3A_124, %sub3A_126 : vector<16xf32>
      %mul3A_128 = arith.constant 2.046500e+03 : f32
      %mul3A_129 = vector.broadcast %mul3A_128 : f32 to vector<16xf32>
      %mul3A_130 = arith.mulf %sub3A_127, %mul3A_129 : vector<16xf32>
      %convert_element_type3A_131 = arith.fptosi %mul3A_130 : vector<16xf32> to vector<16xi32>
      %convert_element_type3A_132 = arith.sitofp %convert_element_type3A_131 : vector<16xi32> to vector<16xf32>
      %sub3A_133 = arith.subf %mul3A_130, %convert_element_type3A_132 : vector<16xf32>
      %max3A = arith.constant 0 : i32
      %max3A_134 = vector.broadcast %max3A : i32 to vector<16xi32>
      %max3A_135 = arith.maxsi %convert_element_type3A_131, %max3A_134 : vector<16xi32>
      %min3A_136 = arith.constant 4092 : i32
      %min3A_137 = vector.broadcast %min3A_136 : i32 to vector<16xi32>
      %min3A_138 = arith.minsi %max3A_135, %min3A_137 : vector<16xi32>
      %mul3A_139 = arith.mulf %sub3A_133, %sub3A_133 : vector<16xf32>
      %mul3A_140 = arith.mulf %mul3A_139, %sub3A_133 : vector<16xf32>
      %mul3A_141 = arith.constant 0.166666672 : f32
      %mul3A_142 = vector.broadcast %mul3A_141 : f32 to vector<16xf32>
      %mul3A_143 = arith.mulf %mul3A_140, %mul3A_142 : vector<16xf32>
      %mul3A_144 = arith.constant 5.000000e-01 : f32
      %mul3A_145 = vector.broadcast %mul3A_144 : f32 to vector<16xf32>
      %mul3A_146 = arith.mulf %mul3A_145, %mul3A_140 : vector<16xf32>
      %sub3A_147 = arith.subf %mul3A_146, %mul3A_139 : vector<16xf32>
      %add3A_148 = arith.constant 0.666666686 : f32
      %add3A_149 = vector.broadcast %add3A_148 : f32 to vector<16xf32>
      %add3A_150 = arith.addf %sub3A_147, %add3A_149 : vector<16xf32>
      %sub3A_151 = arith.constant 0.166666672 : f32
      %sub3A_152 = vector.broadcast %sub3A_151 : f32 to vector<16xf32>
      %sub3A_153 = arith.subf %sub3A_152, %mul3A_143 : vector<16xf32>
      %sub3A_154 = arith.subf %mul3A_139, %sub3A_133 : vector<16xf32>
      %mul3A_155 = arith.constant 5.000000e-01 : f32
      %mul3A_156 = vector.broadcast %mul3A_155 : f32 to vector<16xf32>
      %mul3A_157 = arith.mulf %mul3A_156, %sub3A_154 : vector<16xf32>
      %add3A_158 = arith.addf %sub3A_153, %mul3A_157 : vector<16xf32>
      %add3A_159 = arith.addf %add3A_158, %add3A_150 : vector<16xf32>
      %add3A_160 = arith.addf %add3A_159, %mul3A_143 : vector<16xf32>
      %sub3A_161 = arith.constant 1.000000e+00 : f32
      %sub3A_162 = vector.broadcast %sub3A_161 : f32 to vector<16xf32>
      %sub3A_163 = arith.subf %sub3A_162, %add3A_160 : vector<16xf32>
      %gather3A = tpu.vector_load_idx %arg5[%min3A_138] : memref<4096xf32, #tpu.memory_space<vmem>>[vector<16xi32>], vector<16xf32>,
      %mul3A_164 = arith.mulf %add3A_158, %gather3A : vector<16xf32>
      %add3A_165 = arith.constant 1 : i32
      %add3A_166 = vector.broadcast %add3A_165 : i32 to vector<16xi32>
      %add3A_167 = arith.addi %min3A_138, %add3A_166 : vector<16xi32>
      %gather3A_168 = tpu.vector_load_idx %arg5[%add3A_167] : memref<4096xf32, #tpu.memory_space<vmem>>[vector<16xi32>], vector<16xf32>,
      %mul3A_169 = arith.mulf %add3A_150, %gather3A_168 : vector<16xf32>
      %add3A_170 = arith.addf %mul3A_164, %mul3A_169 : vector<16xf32>
      %add3A_171 = arith.constant 2 : i32
      %add3A_172 = vector.broadcast %add3A_171 : i32 to vector<16xi32>
      %add3A_173 = arith.addi %min3A_138, %add3A_172 : vector<16xi32>
      %gather3A_174 = tpu.vector_load_idx %arg5[%add3A_173] : memref<4096xf32, #tpu.memory_space<vmem>>[vector<16xi32>], vector<16xf32>,
      %mul3A_175 = arith.mulf %sub3A_163, %gather3A_174 : vector<16xf32>
      %add3A_176 = arith.addf %add3A_170, %mul3A_175 : vector<16xf32>
      %add3A_177 = arith.constant 3 : i32
      %add3A_178 = vector.broadcast %add3A_177 : i32 to vector<16xi32>
      %add3A_179 = arith.addi %min3A_138, %add3A_178 : vector<16xi32>
      %gather3A_180 = tpu.vector_load_idx %arg5[%add3A_179] : memref<4096xf32, #tpu.memory_space<vmem>>[vector<16xi32>], vector<16xf32>,
      %mul3A_181 = arith.mulf %mul3A_143, %gather3A_180 : vector<16xf32>
      %add3A_182 = arith.addf %add3A_176, %mul3A_181 : vector<16xf32>
      %mul3A_183 = arith.constant 16 : i32
      %mul3A_184 = arith.muli %scan3A_118, %mul3A_183 : i32
      %swap3A = arith.index_cast %mul3A_184 : i32 to index
      %swap3A_185 = tpu.vector_load %arg8[%swap3A] {strides = array<i32>} : memref<10416xf32, #tpu.memory_space<vmem>>, vector<16xf32>,
      tpu.vector_store %arg8[%swap3A], %add3A_182 {strides = array<i32>} : memref<10416xf32, #tpu.memory_space<vmem>>, vector<16xf32>,
      %scan3A_186 = arith.constant 0 : i32
      scf.yield %scan3A_186 : i32
    }
    %scan3A_18 = arith.constant 651 : i32
    %add3A_19 = arith.constant 0 : i32
    %add3A_20 = arith.addi %add3A_6, %add3A_19 : i32
    %dma_start3A_21 = tpu.memref_slice %arg4[%add3A_20] : memref<2000000xf32, #tpu.memory_space<hbm>> -> memref<10416xf32, #tpu.memory_space<hbm>>
    %dma_start3A_22 = tpu.memref_slice %arg4[%add3A_20] : memref<2000000xf32, #tpu.memory_space<hbm>> -> memref<10416xf32, #tpu.memory_space<hbm>>
    tpu.enqueue_dma source(%arg8 : memref<10416xf32, #tpu.memory_space<vmem>>) target(%dma_start3A_22 : memref<10416xf32, #tpu.memory_space<hbm>>) target_semaphore(%arg12 : memref<!tpu.dma_semaphore, #tpu.memory_space<semaphore_mem>>)
    %add3A_23 = arith.constant 20832 : i32
    %add3A_24 = arith.addi %add3A_6, %add3A_23 : i32
    %dma_start3A_25 = tpu.memref_slice %arg2[%add3A_24] : memref<2000000xf32, #tpu.memory_space<hbm>> -> memref<10416xf32, #tpu.memory_space<hbm>>
    %dma_start3A_26 = tpu.memref_slice %arg2[%add3A_24] : memref<2000000xf32, #tpu.memory_space<hbm>> -> memref<10416xf32, #tpu.memory_space<hbm>>
    tpu.enqueue_dma source(%dma_start3A_26 : memref<10416xf32, #tpu.memory_space<hbm>>) target(%arg6 : memref<10416xf32, #tpu.memory_space<vmem>>) target_semaphore(%arg10 : memref<!tpu.dma_semaphore, #tpu.memory_space<semaphore_mem>>)
    %dma_wait3A_27 = tpu.memref_slice %arg2[%add3A_9] : memref<2000000xf32, #tpu.memory_space<hbm>> -> memref<10416xf32, #tpu.memory_space<hbm>>
    %dma_wait3A_28 = tpu.memref_slice %arg2[%add3A_9] : memref<2000000xf32, #tpu.memory_space<hbm>> -> memref<10416xf32, #tpu.memory_space<hbm>>
    tpu.wait_dma2 semaphore(%arg11 : memref<!tpu.dma_semaphore, #tpu.memory_space<semaphore_mem>>) src(%dma_wait3A_28 : memref<10416xf32, #tpu.memory_space<hbm>>) dst(%arg7 : memref<10416xf32, #tpu.memory_space<vmem>>)
    %scan3A_29 = arith.constant 0 : i32
    %scan3A_30 = arith.constant 0 : i32
    %scan3A_31 = arith.constant 651 : i32
    %scan3A_32 = arith.addi %scan3A_30, %scan3A_31 : i32
    %scan3A_33 = arith.constant 1 : i32
    %scan3A_34 = scf.for %scan3A_118 = %scan3A_30 to %scan3A_32 step %scan3A_33 iter_args(%scan3A_119 = %scan3A_29) -> (i32)  : i32 {
      %mul3A_120 = arith.constant 16 : i32
      %mul3A_121 = arith.muli %scan3A_118, %mul3A_120 : i32
      %get3A = arith.index_cast %mul3A_121 : i32 to index
      %get3A_122 = tpu.vector_load %arg7[%get3A] {strides = array<i32>} : memref<10416xf32, #tpu.memory_space<vmem>>, vector<16xf32>,
      %sub3A = arith.constant -1.00048864 : f32
      %sub3A_123 = vector.broadcast %sub3A : f32 to vector<16xf32>
      %sub3A_124 = arith.subf %get3A_122, %sub3A_123 : vector<16xf32>
      %sub3A_125 = arith.constant 4.88639169E-4 : f32
      %sub3A_126 = vector.broadcast %sub3A_125 : f32 to vector<16xf32>
      %sub3A_127 = arith.subf %sub3A_124, %sub3A_126 : vector<16xf32>
      %mul3A_128 = arith.constant 2.046500e+03 : f32
      %mul3A_129 = vector.broadcast %mul3A_128 : f32 to vector<16xf32>
      %mul3A_130 = arith.mulf %sub3A_127, %mul3A_129 : vector<16xf32>
      %convert_element_type3A_131 = arith.fptosi %mul3A_130 : vector<16xf32> to vector<16xi32>
      %convert_element_type3A_132 = arith.sitofp %convert_element_type3A_131 : vector<16xi32> to vector<16xf32>
      %sub3A_133 = arith.subf %mul3A_130, %convert_element_type3A_132 : vector<16xf32>
      %max3A = arith.constant 0 : i32
      %max3A_134 = vector.broadcast %max3A : i32 to vector<16xi32>
      %max3A_135 = arith.maxsi %convert_element_type3A_131, %max3A_134 : vector<16xi32>
      %min3A_136 = arith.constant 4092 : i32
      %min3A_137 = vector.broadcast %min3A_136 : i32 to vector<16xi32>
      %min3A_138 = arith.minsi %max3A_135, %min3A_137 : vector<16xi32>
      %mul3A_139 = arith.mulf %sub3A_133, %sub3A_133 : vector<16xf32>
      %mul3A_140 = arith.mulf %mul3A_139, %sub3A_133 : vector<16xf32>
      %mul3A_141 = arith.constant 0.166666672 : f32
      %mul3A_142 = vector.broadcast %mul3A_141 : f32 to vector<16xf32>
      %mul3A_143 = arith.mulf %mul3A_140, %mul3A_142 : vector<16xf32>
      %mul3A_144 = arith.constant 5.000000e-01 : f32
      %mul3A_145 = vector.broadcast %mul3A_144 : f32 to vector<16xf32>
      %mul3A_146 = arith.mulf %mul3A_145, %mul3A_140 : vector<16xf32>
      %sub3A_147 = arith.subf %mul3A_146, %mul3A_139 : vector<16xf32>
      %add3A_148 = arith.constant 0.666666686 : f32
      %add3A_149 = vector.broadcast %add3A_148 : f32 to vector<16xf32>
      %add3A_150 = arith.addf %sub3A_147, %add3A_149 : vector<16xf32>
      %sub3A_151 = arith.constant 0.166666672 : f32
      %sub3A_152 = vector.broadcast %sub3A_151 : f32 to vector<16xf32>
      %sub3A_153 = arith.subf %sub3A_152, %mul3A_143 : vector<16xf32>
      %sub3A_154 = arith.subf %mul3A_139, %sub3A_133 : vector<16xf32>
      %mul3A_155 = arith.constant 5.000000e-01 : f32
      %mul3A_156 = vector.broadcast %mul3A_155 : f32 to vector<16xf32>
      %mul3A_157 = arith.mulf %mul3A_156, %sub3A_154 : vector<16xf32>
      %add3A_158 = arith.addf %sub3A_153, %mul3A_157 : vector<16xf32>
      %add3A_159 = arith.addf %add3A_158, %add3A_150 : vector<16xf32>
      %add3A_160 = arith.addf %add3A_159, %mul3A_143 : vector<16xf32>
      %sub3A_161 = arith.constant 1.000000e+00 : f32
      %sub3A_162 = vector.broadcast %sub3A_161 : f32 to vector<16xf32>
      %sub3A_163 = arith.subf %sub3A_162, %add3A_160 : vector<16xf32>
      %gather3A = tpu.vector_load_idx %arg5[%min3A_138] : memref<4096xf32, #tpu.memory_space<vmem>>[vector<16xi32>], vector<16xf32>,
      %mul3A_164 = arith.mulf %add3A_158, %gather3A : vector<16xf32>
      %add3A_165 = arith.constant 1 : i32
      %add3A_166 = vector.broadcast %add3A_165 : i32 to vector<16xi32>
      %add3A_167 = arith.addi %min3A_138, %add3A_166 : vector<16xi32>
      %gather3A_168 = tpu.vector_load_idx %arg5[%add3A_167] : memref<4096xf32, #tpu.memory_space<vmem>>[vector<16xi32>], vector<16xf32>,
      %mul3A_169 = arith.mulf %add3A_150, %gather3A_168 : vector<16xf32>
      %add3A_170 = arith.addf %mul3A_164, %mul3A_169 : vector<16xf32>
      %add3A_171 = arith.constant 2 : i32
      %add3A_172 = vector.broadcast %add3A_171 : i32 to vector<16xi32>
      %add3A_173 = arith.addi %min3A_138, %add3A_172 : vector<16xi32>
      %gather3A_174 = tpu.vector_load_idx %arg5[%add3A_173] : memref<4096xf32, #tpu.memory_space<vmem>>[vector<16xi32>], vector<16xf32>,
      %mul3A_175 = arith.mulf %sub3A_163, %gather3A_174 : vector<16xf32>
      %add3A_176 = arith.addf %add3A_170, %mul3A_175 : vector<16xf32>
      %add3A_177 = arith.constant 3 : i32
      %add3A_178 = vector.broadcast %add3A_177 : i32 to vector<16xi32>
      %add3A_179 = arith.addi %min3A_138, %add3A_178 : vector<16xi32>
      %gather3A_180 = tpu.vector_load_idx %arg5[%add3A_179] : memref<4096xf32, #tpu.memory_space<vmem>>[vector<16xi32>], vector<16xf32>,
      %mul3A_181 = arith.mulf %mul3A_143, %gather3A_180 : vector<16xf32>
      %add3A_182 = arith.addf %add3A_176, %mul3A_181 : vector<16xf32>
      %mul3A_183 = arith.constant 16 : i32
      %mul3A_184 = arith.muli %scan3A_118, %mul3A_183 : i32
      %swap3A = arith.index_cast %mul3A_184 : i32 to index
      %swap3A_185 = tpu.vector_load %arg9[%swap3A] {strides = array<i32>} : memref<10416xf32, #tpu.memory_space<vmem>>, vector<16xf32>,
      tpu.vector_store %arg9[%swap3A], %add3A_182 {strides = array<i32>} : memref<10416xf32, #tpu.memory_space<vmem>>, vector<16xf32>,
      %scan3A_186 = arith.constant 0 : i32
      scf.yield %scan3A_186 : i32
    }
    %scan3A_35 = arith.constant 651 : i32
    %add3A_36 = arith.constant 10416 : i32
    %add3A_37 = arith.addi %add3A_6, %add3A_36 : i32
    %dma_start3A_38 = tpu.memref_slice %arg4[%add3A_37] : memref<2000000xf32, #tpu.memory_space<hbm>> -> memref<10416xf32, #tpu.memory_space<hbm>>
    %dma_start3A_39 = tpu.memref_slice %arg4[%add3A_37] : memref<2000000xf32, #tpu.memory_space<hbm>> -> memref<10416xf32, #tpu.memory_space<hbm>>
    tpu.enqueue_dma source(%arg9 : memref<10416xf32, #tpu.memory_space<vmem>>) target(%dma_start3A_39 : memref<10416xf32, #tpu.memory_space<hbm>>) target_semaphore(%arg13 : memref<!tpu.dma_semaphore, #tpu.memory_space<semaphore_mem>>)
    %add3A_40 = arith.constant 31248 : i32
    %add3A_41 = arith.addi %add3A_6, %add3A_40 : i32
    %dma_start3A_42 = tpu.memref_slice %arg2[%add3A_41] : memref<2000000xf32, #tpu.memory_space<hbm>> -> memref<10416xf32, #tpu.memory_space<hbm>>
    %dma_start3A_43 = tpu.memref_slice %arg2[%add3A_41] : memref<2000000xf32, #tpu.memory_space<hbm>> -> memref<10416xf32, #tpu.memory_space<hbm>>
    tpu.enqueue_dma source(%dma_start3A_43 : memref<10416xf32, #tpu.memory_space<hbm>>) target(%arg7 : memref<10416xf32, #tpu.memory_space<vmem>>) target_semaphore(%arg11 : memref<!tpu.dma_semaphore, #tpu.memory_space<semaphore_mem>>)
    %dma_wait3A_44 = tpu.memref_slice %arg2[%add3A_24] : memref<2000000xf32, #tpu.memory_space<hbm>> -> memref<10416xf32, #tpu.memory_space<hbm>>
    %dma_wait3A_45 = tpu.memref_slice %arg2[%add3A_24] : memref<2000000xf32, #tpu.memory_space<hbm>> -> memref<10416xf32, #tpu.memory_space<hbm>>
    tpu.wait_dma2 semaphore(%arg10 : memref<!tpu.dma_semaphore, #tpu.memory_space<semaphore_mem>>) src(%dma_wait3A_45 : memref<10416xf32, #tpu.memory_space<hbm>>) dst(%arg6 : memref<10416xf32, #tpu.memory_space<vmem>>)
    %dma_wait3A_46 = tpu.memref_slice %arg4[%add3A_20] : memref<2000000xf32, #tpu.memory_space<hbm>> -> memref<10416xf32, #tpu.memory_space<hbm>>
    %dma_wait3A_47 = tpu.memref_slice %arg4[%add3A_20] : memref<2000000xf32, #tpu.memory_space<hbm>> -> memref<10416xf32, #tpu.memory_space<hbm>>
    tpu.wait_dma2 semaphore(%arg12 : memref<!tpu.dma_semaphore, #tpu.memory_space<semaphore_mem>>) src(%arg8 : memref<10416xf32, #tpu.memory_space<vmem>>) dst(%dma_wait3A_47 : memref<10416xf32, #tpu.memory_space<hbm>>)
    %scan3A_48 = arith.constant 0 : i32
    %scan3A_49 = arith.constant 0 : i32
    %scan3A_50 = arith.constant 651 : i32
    %scan3A_51 = arith.addi %scan3A_49, %scan3A_50 : i32
    %scan3A_52 = arith.constant 1 : i32
    %scan3A_53 = scf.for %scan3A_118 = %scan3A_49 to %scan3A_51 step %scan3A_52 iter_args(%scan3A_119 = %scan3A_48) -> (i32)  : i32 {
      %mul3A_120 = arith.constant 16 : i32
      %mul3A_121 = arith.muli %scan3A_118, %mul3A_120 : i32
      %get3A = arith.index_cast %mul3A_121 : i32 to index
      %get3A_122 = tpu.vector_load %arg6[%get3A] {strides = array<i32>} : memref<10416xf32, #tpu.memory_space<vmem>>, vector<16xf32>,
      %sub3A = arith.constant -1.00048864 : f32
      %sub3A_123 = vector.broadcast %sub3A : f32 to vector<16xf32>
      %sub3A_124 = arith.subf %get3A_122, %sub3A_123 : vector<16xf32>
      %sub3A_125 = arith.constant 4.88639169E-4 : f32
      %sub3A_126 = vector.broadcast %sub3A_125 : f32 to vector<16xf32>
      %sub3A_127 = arith.subf %sub3A_124, %sub3A_126 : vector<16xf32>
      %mul3A_128 = arith.constant 2.046500e+03 : f32
      %mul3A_129 = vector.broadcast %mul3A_128 : f32 to vector<16xf32>
      %mul3A_130 = arith.mulf %sub3A_127, %mul3A_129 : vector<16xf32>
      %convert_element_type3A_131 = arith.fptosi %mul3A_130 : vector<16xf32> to vector<16xi32>
      %convert_element_type3A_132 = arith.sitofp %convert_element_type3A_131 : vector<16xi32> to vector<16xf32>
      %sub3A_133 = arith.subf %mul3A_130, %convert_element_type3A_132 : vector<16xf32>
      %max3A = arith.constant 0 : i32
      %max3A_134 = vector.broadcast %max3A : i32 to vector<16xi32>
      %max3A_135 = arith.maxsi %convert_element_type3A_131, %max3A_134 : vector<16xi32>
      %min3A_136 = arith.constant 4092 : i32
      %min3A_137 = vector.broadcast %min3A_136 : i32 to vector<16xi32>
      %min3A_138 = arith.minsi %max3A_135, %min3A_137 : vector<16xi32>
      %mul3A_139 = arith.mulf %sub3A_133, %sub3A_133 : vector<16xf32>
      %mul3A_140 = arith.mulf %mul3A_139, %sub3A_133 : vector<16xf32>
      %mul3A_141 = arith.constant 0.166666672 : f32
      %mul3A_142 = vector.broadcast %mul3A_141 : f32 to vector<16xf32>
      %mul3A_143 = arith.mulf %mul3A_140, %mul3A_142 : vector<16xf32>
      %mul3A_144 = arith.constant 5.000000e-01 : f32
      %mul3A_145 = vector.broadcast %mul3A_144 : f32 to vector<16xf32>
      %mul3A_146 = arith.mulf %mul3A_145, %mul3A_140 : vector<16xf32>
      %sub3A_147 = arith.subf %mul3A_146, %mul3A_139 : vector<16xf32>
      %add3A_148 = arith.constant 0.666666686 : f32
      %add3A_149 = vector.broadcast %add3A_148 : f32 to vector<16xf32>
      %add3A_150 = arith.addf %sub3A_147, %add3A_149 : vector<16xf32>
      %sub3A_151 = arith.constant 0.166666672 : f32
      %sub3A_152 = vector.broadcast %sub3A_151 : f32 to vector<16xf32>
      %sub3A_153 = arith.subf %sub3A_152, %mul3A_143 : vector<16xf32>
      %sub3A_154 = arith.subf %mul3A_139, %sub3A_133 : vector<16xf32>
      %mul3A_155 = arith.constant 5.000000e-01 : f32
      %mul3A_156 = vector.broadcast %mul3A_155 : f32 to vector<16xf32>
      %mul3A_157 = arith.mulf %mul3A_156, %sub3A_154 : vector<16xf32>
      %add3A_158 = arith.addf %sub3A_153, %mul3A_157 : vector<16xf32>
      %add3A_159 = arith.addf %add3A_158, %add3A_150 : vector<16xf32>
      %add3A_160 = arith.addf %add3A_159, %mul3A_143 : vector<16xf32>
      %sub3A_161 = arith.constant 1.000000e+00 : f32
      %sub3A_162 = vector.broadcast %sub3A_161 : f32 to vector<16xf32>
      %sub3A_163 = arith.subf %sub3A_162, %add3A_160 : vector<16xf32>
      %gather3A = tpu.vector_load_idx %arg5[%min3A_138] : memref<4096xf32, #tpu.memory_space<vmem>>[vector<16xi32>], vector<16xf32>,
      %mul3A_164 = arith.mulf %add3A_158, %gather3A : vector<16xf32>
      %add3A_165 = arith.constant 1 : i32
      %add3A_166 = vector.broadcast %add3A_165 : i32 to vector<16xi32>
      %add3A_167 = arith.addi %min3A_138, %add3A_166 : vector<16xi32>
      %gather3A_168 = tpu.vector_load_idx %arg5[%add3A_167] : memref<4096xf32, #tpu.memory_space<vmem>>[vector<16xi32>], vector<16xf32>,
      %mul3A_169 = arith.mulf %add3A_150, %gather3A_168 : vector<16xf32>
      %add3A_170 = arith.addf %mul3A_164, %mul3A_169 : vector<16xf32>
      %add3A_171 = arith.constant 2 : i32
      %add3A_172 = vector.broadcast %add3A_171 : i32 to vector<16xi32>
      %add3A_173 = arith.addi %min3A_138, %add3A_172 : vector<16xi32>
      %gather3A_174 = tpu.vector_load_idx %arg5[%add3A_173] : memref<4096xf32, #tpu.memory_space<vmem>>[vector<16xi32>], vector<16xf32>,
      %mul3A_175 = arith.mulf %sub3A_163, %gather3A_174 : vector<16xf32>
      %add3A_176 = arith.addf %add3A_170, %mul3A_175 : vector<16xf32>
      %add3A_177 = arith.constant 3 : i32
      %add3A_178 = vector.broadcast %add3A_177 : i32 to vector<16xi32>
      %add3A_179 = arith.addi %min3A_138, %add3A_178 : vector<16xi32>
      %gather3A_180 = tpu.vector_load_idx %arg5[%add3A_179] : memref<4096xf32, #tpu.memory_space<vmem>>[vector<16xi32>], vector<16xf32>,
      %mul3A_181 = arith.mulf %mul3A_143, %gather3A_180 : vector<16xf32>
      %add3A_182 = arith.addf %add3A_176, %mul3A_181 : vector<16xf32>
      %mul3A_183 = arith.constant 16 : i32
      %mul3A_184 = arith.muli %scan3A_118, %mul3A_183 : i32
      %swap3A = arith.index_cast %mul3A_184 : i32 to index
      %swap3A_185 = tpu.vector_load %arg8[%swap3A] {strides = array<i32>} : memref<10416xf32, #tpu.memory_space<vmem>>, vector<16xf32>,
      tpu.vector_store %arg8[%swap3A], %add3A_182 {strides = array<i32>} : memref<10416xf32, #tpu.memory_space<vmem>>, vector<16xf32>,
      %scan3A_186 = arith.constant 0 : i32
      scf.yield %scan3A_186 : i32
    }
    %scan3A_54 = arith.constant 651 : i32
    %add3A_55 = arith.constant 20832 : i32
    %add3A_56 = arith.addi %add3A_6, %add3A_55 : i32
    %dma_start3A_57 = tpu.memref_slice %arg4[%add3A_56] : memref<2000000xf32, #tpu.memory_space<hbm>> -> memref<10416xf32, #tpu.memory_space<hbm>>
    %dma_start3A_58 = tpu.memref_slice %arg4[%add3A_56] : memref<2000000xf32, #tpu.memory_space<hbm>> -> memref<10416xf32, #tpu.memory_space<hbm>>
    tpu.enqueue_dma source(%arg8 : memref<10416xf32, #tpu.memory_space<vmem>>) target(%dma_start3A_58 : memref<10416xf32, #tpu.memory_space<hbm>>) target_semaphore(%arg12 : memref<!tpu.dma_semaphore, #tpu.memory_space<semaphore_mem>>)
    %add3A_59 = arith.constant 41664 : i32
    %add3A_60 = arith.addi %add3A_6, %add3A_59 : i32
    %dma_start3A_61 = tpu.memref_slice %arg2[%add3A_60] : memref<2000000xf32, #tpu.memory_space<hbm>> -> memref<10416xf32, #tpu.memory_space<hbm>>
    %dma_start3A_62 = tpu.memref_slice %arg2[%add3A_60] : memref<2000000xf32, #tpu.memory_space<hbm>> -> memref<10416xf32, #tpu.memory_space<hbm>>
    tpu.enqueue_dma source(%dma_start3A_62 : memref<10416xf32, #tpu.memory_space<hbm>>) target(%arg6 : memref<10416xf32, #tpu.memory_space<vmem>>) target_semaphore(%arg10 : memref<!tpu.dma_semaphore, #tpu.memory_space<semaphore_mem>>)
    %dma_wait3A_63 = tpu.memref_slice %arg2[%add3A_41] : memref<2000000xf32, #tpu.memory_space<hbm>> -> memref<10416xf32, #tpu.memory_space<hbm>>
    %dma_wait3A_64 = tpu.memref_slice %arg2[%add3A_41] : memref<2000000xf32, #tpu.memory_space<hbm>> -> memref<10416xf32, #tpu.memory_space<hbm>>
    tpu.wait_dma2 semaphore(%arg11 : memref<!tpu.dma_semaphore, #tpu.memory_space<semaphore_mem>>) src(%dma_wait3A_64 : memref<10416xf32, #tpu.memory_space<hbm>>) dst(%arg7 : memref<10416xf32, #tpu.memory_space<vmem>>)
    %dma_wait3A_65 = tpu.memref_slice %arg4[%add3A_37] : memref<2000000xf32, #tpu.memory_space<hbm>> -> memref<10416xf32, #tpu.memory_space<hbm>>
    %dma_wait3A_66 = tpu.memref_slice %arg4[%add3A_37] : memref<2000000xf32, #tpu.memory_space<hbm>> -> memref<10416xf32, #tpu.memory_space<hbm>>
    tpu.wait_dma2 semaphore(%arg13 : memref<!tpu.dma_semaphore, #tpu.memory_space<semaphore_mem>>) src(%arg9 : memref<10416xf32, #tpu.memory_space<vmem>>) dst(%dma_wait3A_66 : memref<10416xf32, #tpu.memory_space<hbm>>)
    %scan3A_67 = arith.constant 0 : i32
    %scan3A_68 = arith.constant 0 : i32
    %scan3A_69 = arith.constant 651 : i32
    %scan3A_70 = arith.addi %scan3A_68, %scan3A_69 : i32
    %scan3A_71 = arith.constant 1 : i32
    %scan3A_72 = scf.for %scan3A_118 = %scan3A_68 to %scan3A_70 step %scan3A_71 iter_args(%scan3A_119 = %scan3A_67) -> (i32)  : i32 {
      %mul3A_120 = arith.constant 16 : i32
      %mul3A_121 = arith.muli %scan3A_118, %mul3A_120 : i32
      %get3A = arith.index_cast %mul3A_121 : i32 to index
      %get3A_122 = tpu.vector_load %arg7[%get3A] {strides = array<i32>} : memref<10416xf32, #tpu.memory_space<vmem>>, vector<16xf32>,
      %sub3A = arith.constant -1.00048864 : f32
      %sub3A_123 = vector.broadcast %sub3A : f32 to vector<16xf32>
      %sub3A_124 = arith.subf %get3A_122, %sub3A_123 : vector<16xf32>
      %sub3A_125 = arith.constant 4.88639169E-4 : f32
      %sub3A_126 = vector.broadcast %sub3A_125 : f32 to vector<16xf32>
      %sub3A_127 = arith.subf %sub3A_124, %sub3A_126 : vector<16xf32>
      %mul3A_128 = arith.constant 2.046500e+03 : f32
      %mul3A_129 = vector.broadcast %mul3A_128 : f32 to vector<16xf32>
      %mul3A_130 = arith.mulf %sub3A_127, %mul3A_129 : vector<16xf32>
      %convert_element_type3A_131 = arith.fptosi %mul3A_130 : vector<16xf32> to vector<16xi32>
      %convert_element_type3A_132 = arith.sitofp %convert_element_type3A_131 : vector<16xi32> to vector<16xf32>
      %sub3A_133 = arith.subf %mul3A_130, %convert_element_type3A_132 : vector<16xf32>
      %max3A = arith.constant 0 : i32
      %max3A_134 = vector.broadcast %max3A : i32 to vector<16xi32>
      %max3A_135 = arith.maxsi %convert_element_type3A_131, %max3A_134 : vector<16xi32>
      %min3A_136 = arith.constant 4092 : i32
      %min3A_137 = vector.broadcast %min3A_136 : i32 to vector<16xi32>
      %min3A_138 = arith.minsi %max3A_135, %min3A_137 : vector<16xi32>
      %mul3A_139 = arith.mulf %sub3A_133, %sub3A_133 : vector<16xf32>
      %mul3A_140 = arith.mulf %mul3A_139, %sub3A_133 : vector<16xf32>
      %mul3A_141 = arith.constant 0.166666672 : f32
      %mul3A_142 = vector.broadcast %mul3A_141 : f32 to vector<16xf32>
      %mul3A_143 = arith.mulf %mul3A_140, %mul3A_142 : vector<16xf32>
      %mul3A_144 = arith.constant 5.000000e-01 : f32
      %mul3A_145 = vector.broadcast %mul3A_144 : f32 to vector<16xf32>
      %mul3A_146 = arith.mulf %mul3A_145, %mul3A_140 : vector<16xf32>
      %sub3A_147 = arith.subf %mul3A_146, %mul3A_139 : vector<16xf32>
      %add3A_148 = arith.constant 0.666666686 : f32
      %add3A_149 = vector.broadcast %add3A_148 : f32 to vector<16xf32>
      %add3A_150 = arith.addf %sub3A_147, %add3A_149 : vector<16xf32>
      %sub3A_151 = arith.constant 0.166666672 : f32
      %sub3A_152 = vector.broadcast %sub3A_151 : f32 to vector<16xf32>
      %sub3A_153 = arith.subf %sub3A_152, %mul3A_143 : vector<16xf32>
      %sub3A_154 = arith.subf %mul3A_139, %sub3A_133 : vector<16xf32>
      %mul3A_155 = arith.constant 5.000000e-01 : f32
      %mul3A_156 = vector.broadcast %mul3A_155 : f32 to vector<16xf32>
      %mul3A_157 = arith.mulf %mul3A_156, %sub3A_154 : vector<16xf32>
      %add3A_158 = arith.addf %sub3A_153, %mul3A_157 : vector<16xf32>
      %add3A_159 = arith.addf %add3A_158, %add3A_150 : vector<16xf32>
      %add3A_160 = arith.addf %add3A_159, %mul3A_143 : vector<16xf32>
      %sub3A_161 = arith.constant 1.000000e+00 : f32
      %sub3A_162 = vector.broadcast %sub3A_161 : f32 to vector<16xf32>
      %sub3A_163 = arith.subf %sub3A_162, %add3A_160 : vector<16xf32>
      %gather3A = tpu.vector_load_idx %arg5[%min3A_138] : memref<4096xf32, #tpu.memory_space<vmem>>[vector<16xi32>], vector<16xf32>,
      %mul3A_164 = arith.mulf %add3A_158, %gather3A : vector<16xf32>
      %add3A_165 = arith.constant 1 : i32
      %add3A_166 = vector.broadcast %add3A_165 : i32 to vector<16xi32>
      %add3A_167 = arith.addi %min3A_138, %add3A_166 : vector<16xi32>
      %gather3A_168 = tpu.vector_load_idx %arg5[%add3A_167] : memref<4096xf32, #tpu.memory_space<vmem>>[vector<16xi32>], vector<16xf32>,
      %mul3A_169 = arith.mulf %add3A_150, %gather3A_168 : vector<16xf32>
      %add3A_170 = arith.addf %mul3A_164, %mul3A_169 : vector<16xf32>
      %add3A_171 = arith.constant 2 : i32
      %add3A_172 = vector.broadcast %add3A_171 : i32 to vector<16xi32>
      %add3A_173 = arith.addi %min3A_138, %add3A_172 : vector<16xi32>
      %gather3A_174 = tpu.vector_load_idx %arg5[%add3A_173] : memref<4096xf32, #tpu.memory_space<vmem>>[vector<16xi32>], vector<16xf32>,
      %mul3A_175 = arith.mulf %sub3A_163, %gather3A_174 : vector<16xf32>
      %add3A_176 = arith.addf %add3A_170, %mul3A_175 : vector<16xf32>
      %add3A_177 = arith.constant 3 : i32
      %add3A_178 = vector.broadcast %add3A_177 : i32 to vector<16xi32>
      %add3A_179 = arith.addi %min3A_138, %add3A_178 : vector<16xi32>
      %gather3A_180 = tpu.vector_load_idx %arg5[%add3A_179] : memref<4096xf32, #tpu.memory_space<vmem>>[vector<16xi32>], vector<16xf32>,
      %mul3A_181 = arith.mulf %mul3A_143, %gather3A_180 : vector<16xf32>
      %add3A_182 = arith.addf %add3A_176, %mul3A_181 : vector<16xf32>
      %mul3A_183 = arith.constant 16 : i32
      %mul3A_184 = arith.muli %scan3A_118, %mul3A_183 : i32
      %swap3A = arith.index_cast %mul3A_184 : i32 to index
      %swap3A_185 = tpu.vector_load %arg9[%swap3A] {strides = array<i32>} : memref<10416xf32, #tpu.memory_space<vmem>>, vector<16xf32>,
      tpu.vector_store %arg9[%swap3A], %add3A_182 {strides = array<i32>} : memref<10416xf32, #tpu.memory_space<vmem>>, vector<16xf32>,
      %scan3A_186 = arith.constant 0 : i32
      scf.yield %scan3A_186 : i32
    }
    %scan3A_73 = arith.constant 651 : i32
    %add3A_74 = arith.constant 31248 : i32
    %add3A_75 = arith.addi %add3A_6, %add3A_74 : i32
    %dma_start3A_76 = tpu.memref_slice %arg4[%add3A_75] : memref<2000000xf32, #tpu.memory_space<hbm>> -> memref<10416xf32, #tpu.memory_space<hbm>>
    %dma_start3A_77 = tpu.memref_slice %arg4[%add3A_75] : memref<2000000xf32, #tpu.memory_space<hbm>> -> memref<10416xf32, #tpu.memory_space<hbm>>
    tpu.enqueue_dma source(%arg9 : memref<10416xf32, #tpu.memory_space<vmem>>) target(%dma_start3A_77 : memref<10416xf32, #tpu.memory_space<hbm>>) target_semaphore(%arg13 : memref<!tpu.dma_semaphore, #tpu.memory_space<semaphore_mem>>)
    %add3A_78 = arith.constant 52080 : i32
    %add3A_79 = arith.addi %add3A_6, %add3A_78 : i32
    %dma_start3A_80 = tpu.memref_slice %arg2[%add3A_79] : memref<2000000xf32, #tpu.memory_space<hbm>> -> memref<10416xf32, #tpu.memory_space<hbm>>
    %dma_start3A_81 = tpu.memref_slice %arg2[%add3A_79] : memref<2000000xf32, #tpu.memory_space<hbm>> -> memref<10416xf32, #tpu.memory_space<hbm>>
    tpu.enqueue_dma source(%dma_start3A_81 : memref<10416xf32, #tpu.memory_space<hbm>>) target(%arg7 : memref<10416xf32, #tpu.memory_space<vmem>>) target_semaphore(%arg11 : memref<!tpu.dma_semaphore, #tpu.memory_space<semaphore_mem>>)
    %dma_wait3A_82 = tpu.memref_slice %arg2[%add3A_60] : memref<2000000xf32, #tpu.memory_space<hbm>> -> memref<10416xf32, #tpu.memory_space<hbm>>
    %dma_wait3A_83 = tpu.memref_slice %arg2[%add3A_60] : memref<2000000xf32, #tpu.memory_space<hbm>> -> memref<10416xf32, #tpu.memory_space<hbm>>
    tpu.wait_dma2 semaphore(%arg10 : memref<!tpu.dma_semaphore, #tpu.memory_space<semaphore_mem>>) src(%dma_wait3A_83 : memref<10416xf32, #tpu.memory_space<hbm>>) dst(%arg6 : memref<10416xf32, #tpu.memory_space<vmem>>)
    %dma_wait3A_84 = tpu.memref_slice %arg4[%add3A_56] : memref<2000000xf32, #tpu.memory_space<hbm>> -> memref<10416xf32, #tpu.memory_space<hbm>>
    %dma_wait3A_85 = tpu.memref_slice %arg4[%add3A_56] : memref<2000000xf32, #tpu.memory_space<hbm>> -> memref<10416xf32, #tpu.memory_space<hbm>>
    tpu.wait_dma2 semaphore(%arg12 : memref<!tpu.dma_semaphore, #tpu.memory_space<semaphore_mem>>) src(%arg8 : memref<10416xf32, #tpu.memory_space<vmem>>) dst(%dma_wait3A_85 : memref<10416xf32, #tpu.memory_space<hbm>>)
    %scan3A_86 = arith.constant 0 : i32
    %scan3A_87 = arith.constant 0 : i32
    %scan3A_88 = arith.constant 651 : i32
    %scan3A_89 = arith.addi %scan3A_87, %scan3A_88 : i32
    %scan3A_90 = arith.constant 1 : i32
    %scan3A_91 = scf.for %scan3A_118 = %scan3A_87 to %scan3A_89 step %scan3A_90 iter_args(%scan3A_119 = %scan3A_86) -> (i32)  : i32 {
      %mul3A_120 = arith.constant 16 : i32
      %mul3A_121 = arith.muli %scan3A_118, %mul3A_120 : i32
      %get3A = arith.index_cast %mul3A_121 : i32 to index
      %get3A_122 = tpu.vector_load %arg6[%get3A] {strides = array<i32>} : memref<10416xf32, #tpu.memory_space<vmem>>, vector<16xf32>,
      %sub3A = arith.constant -1.00048864 : f32
      %sub3A_123 = vector.broadcast %sub3A : f32 to vector<16xf32>
      %sub3A_124 = arith.subf %get3A_122, %sub3A_123 : vector<16xf32>
      %sub3A_125 = arith.constant 4.88639169E-4 : f32
      %sub3A_126 = vector.broadcast %sub3A_125 : f32 to vector<16xf32>
      %sub3A_127 = arith.subf %sub3A_124, %sub3A_126 : vector<16xf32>
      %mul3A_128 = arith.constant 2.046500e+03 : f32
      %mul3A_129 = vector.broadcast %mul3A_128 : f32 to vector<16xf32>
      %mul3A_130 = arith.mulf %sub3A_127, %mul3A_129 : vector<16xf32>
      %convert_element_type3A_131 = arith.fptosi %mul3A_130 : vector<16xf32> to vector<16xi32>
      %convert_element_type3A_132 = arith.sitofp %convert_element_type3A_131 : vector<16xi32> to vector<16xf32>
      %sub3A_133 = arith.subf %mul3A_130, %convert_element_type3A_132 : vector<16xf32>
      %max3A = arith.constant 0 : i32
      %max3A_134 = vector.broadcast %max3A : i32 to vector<16xi32>
      %max3A_135 = arith.maxsi %convert_element_type3A_131, %max3A_134 : vector<16xi32>
      %min3A_136 = arith.constant 4092 : i32
      %min3A_137 = vector.broadcast %min3A_136 : i32 to vector<16xi32>
      %min3A_138 = arith.minsi %max3A_135, %min3A_137 : vector<16xi32>
      %mul3A_139 = arith.mulf %sub3A_133, %sub3A_133 : vector<16xf32>
      %mul3A_140 = arith.mulf %mul3A_139, %sub3A_133 : vector<16xf32>
      %mul3A_141 = arith.constant 0.166666672 : f32
      %mul3A_142 = vector.broadcast %mul3A_141 : f32 to vector<16xf32>
      %mul3A_143 = arith.mulf %mul3A_140, %mul3A_142 : vector<16xf32>
      %mul3A_144 = arith.constant 5.000000e-01 : f32
      %mul3A_145 = vector.broadcast %mul3A_144 : f32 to vector<16xf32>
      %mul3A_146 = arith.mulf %mul3A_145, %mul3A_140 : vector<16xf32>
      %sub3A_147 = arith.subf %mul3A_146, %mul3A_139 : vector<16xf32>
      %add3A_148 = arith.constant 0.666666686 : f32
      %add3A_149 = vector.broadcast %add3A_148 : f32 to vector<16xf32>
      %add3A_150 = arith.addf %sub3A_147, %add3A_149 : vector<16xf32>
      %sub3A_151 = arith.constant 0.166666672 : f32
      %sub3A_152 = vector.broadcast %sub3A_151 : f32 to vector<16xf32>
      %sub3A_153 = arith.subf %sub3A_152, %mul3A_143 : vector<16xf32>
      %sub3A_154 = arith.subf %mul3A_139, %sub3A_133 : vector<16xf32>
      %mul3A_155 = arith.constant 5.000000e-01 : f32
      %mul3A_156 = vector.broadcast %mul3A_155 : f32 to vector<16xf32>
      %mul3A_157 = arith.mulf %mul3A_156, %sub3A_154 : vector<16xf32>
      %add3A_158 = arith.addf %sub3A_153, %mul3A_157 : vector<16xf32>
      %add3A_159 = arith.addf %add3A_158, %add3A_150 : vector<16xf32>
      %add3A_160 = arith.addf %add3A_159, %mul3A_143 : vector<16xf32>
      %sub3A_161 = arith.constant 1.000000e+00 : f32
      %sub3A_162 = vector.broadcast %sub3A_161 : f32 to vector<16xf32>
      %sub3A_163 = arith.subf %sub3A_162, %add3A_160 : vector<16xf32>
      %gather3A = tpu.vector_load_idx %arg5[%min3A_138] : memref<4096xf32, #tpu.memory_space<vmem>>[vector<16xi32>], vector<16xf32>,
      %mul3A_164 = arith.mulf %add3A_158, %gather3A : vector<16xf32>
      %add3A_165 = arith.constant 1 : i32
      %add3A_166 = vector.broadcast %add3A_165 : i32 to vector<16xi32>
      %add3A_167 = arith.addi %min3A_138, %add3A_166 : vector<16xi32>
      %gather3A_168 = tpu.vector_load_idx %arg5[%add3A_167] : memref<4096xf32, #tpu.memory_space<vmem>>[vector<16xi32>], vector<16xf32>,
      %mul3A_169 = arith.mulf %add3A_150, %gather3A_168 : vector<16xf32>
      %add3A_170 = arith.addf %mul3A_164, %mul3A_169 : vector<16xf32>
      %add3A_171 = arith.constant 2 : i32
      %add3A_172 = vector.broadcast %add3A_171 : i32 to vector<16xi32>
      %add3A_173 = arith.addi %min3A_138, %add3A_172 : vector<16xi32>
      %gather3A_174 = tpu.vector_load_idx %arg5[%add3A_173] : memref<4096xf32, #tpu.memory_space<vmem>>[vector<16xi32>], vector<16xf32>,
      %mul3A_175 = arith.mulf %sub3A_163, %gather3A_174 : vector<16xf32>
      %add3A_176 = arith.addf %add3A_170, %mul3A_175 : vector<16xf32>
      %add3A_177 = arith.constant 3 : i32
      %add3A_178 = vector.broadcast %add3A_177 : i32 to vector<16xi32>
      %add3A_179 = arith.addi %min3A_138, %add3A_178 : vector<16xi32>
      %gather3A_180 = tpu.vector_load_idx %arg5[%add3A_179] : memref<4096xf32, #tpu.memory_space<vmem>>[vector<16xi32>], vector<16xf32>,
      %mul3A_181 = arith.mulf %mul3A_143, %gather3A_180 : vector<16xf32>
      %add3A_182 = arith.addf %add3A_176, %mul3A_181 : vector<16xf32>
      %mul3A_183 = arith.constant 16 : i32
      %mul3A_184 = arith.muli %scan3A_118, %mul3A_183 : i32
      %swap3A = arith.index_cast %mul3A_184 : i32 to index
      %swap3A_185 = tpu.vector_load %arg8[%swap3A] {strides = array<i32>} : memref<10416xf32, #tpu.memory_space<vmem>>, vector<16xf32>,
      tpu.vector_store %arg8[%swap3A], %add3A_182 {strides = array<i32>} : memref<10416xf32, #tpu.memory_space<vmem>>, vector<16xf32>,
      %scan3A_186 = arith.constant 0 : i32
      scf.yield %scan3A_186 : i32
    }
    %scan3A_92 = arith.constant 651 : i32
    %add3A_93 = arith.constant 41664 : i32
    %add3A_94 = arith.addi %add3A_6, %add3A_93 : i32
    %dma_start3A_95 = tpu.memref_slice %arg4[%add3A_94] : memref<2000000xf32, #tpu.memory_space<hbm>> -> memref<10416xf32, #tpu.memory_space<hbm>>
    %dma_start3A_96 = tpu.memref_slice %arg4[%add3A_94] : memref<2000000xf32, #tpu.memory_space<hbm>> -> memref<10416xf32, #tpu.memory_space<hbm>>
    tpu.enqueue_dma source(%arg8 : memref<10416xf32, #tpu.memory_space<vmem>>) target(%dma_start3A_96 : memref<10416xf32, #tpu.memory_space<hbm>>) target_semaphore(%arg12 : memref<!tpu.dma_semaphore, #tpu.memory_space<semaphore_mem>>)
    %dma_wait3A_97 = tpu.memref_slice %arg2[%add3A_79] : memref<2000000xf32, #tpu.memory_space<hbm>> -> memref<10416xf32, #tpu.memory_space<hbm>>
    %dma_wait3A_98 = tpu.memref_slice %arg2[%add3A_79] : memref<2000000xf32, #tpu.memory_space<hbm>> -> memref<10416xf32, #tpu.memory_space<hbm>>
    tpu.wait_dma2 semaphore(%arg11 : memref<!tpu.dma_semaphore, #tpu.memory_space<semaphore_mem>>) src(%dma_wait3A_98 : memref<10416xf32, #tpu.memory_space<hbm>>) dst(%arg7 : memref<10416xf32, #tpu.memory_space<vmem>>)
    %dma_wait3A_99 = tpu.memref_slice %arg4[%add3A_75] : memref<2000000xf32, #tpu.memory_space<hbm>> -> memref<10416xf32, #tpu.memory_space<hbm>>
    %dma_wait3A_100 = tpu.memref_slice %arg4[%add3A_75] : memref<2000000xf32, #tpu.memory_space<hbm>> -> memref<10416xf32, #tpu.memory_space<hbm>>
    tpu.wait_dma2 semaphore(%arg13 : memref<!tpu.dma_semaphore, #tpu.memory_space<semaphore_mem>>) src(%arg9 : memref<10416xf32, #tpu.memory_space<vmem>>) dst(%dma_wait3A_100 : memref<10416xf32, #tpu.memory_space<hbm>>)
    %scan3A_101 = arith.constant 0 : i32
    %scan3A_102 = arith.constant 0 : i32
    %scan3A_103 = arith.constant 651 : i32
    %scan3A_104 = arith.addi %scan3A_102, %scan3A_103 : i32
    %scan3A_105 = arith.constant 1 : i32
    %scan3A_106 = scf.for %scan3A_118 = %scan3A_102 to %scan3A_104 step %scan3A_105 iter_args(%scan3A_119 = %scan3A_101) -> (i32)  : i32 {
      %mul3A_120 = arith.constant 16 : i32
      %mul3A_121 = arith.muli %scan3A_118, %mul3A_120 : i32
      %get3A = arith.index_cast %mul3A_121 : i32 to index
      %get3A_122 = tpu.vector_load %arg7[%get3A] {strides = array<i32>} : memref<10416xf32, #tpu.memory_space<vmem>>, vector<16xf32>,
      %sub3A = arith.constant -1.00048864 : f32
      %sub3A_123 = vector.broadcast %sub3A : f32 to vector<16xf32>
      %sub3A_124 = arith.subf %get3A_122, %sub3A_123 : vector<16xf32>
      %sub3A_125 = arith.constant 4.88639169E-4 : f32
      %sub3A_126 = vector.broadcast %sub3A_125 : f32 to vector<16xf32>
      %sub3A_127 = arith.subf %sub3A_124, %sub3A_126 : vector<16xf32>
      %mul3A_128 = arith.constant 2.046500e+03 : f32
      %mul3A_129 = vector.broadcast %mul3A_128 : f32 to vector<16xf32>
      %mul3A_130 = arith.mulf %sub3A_127, %mul3A_129 : vector<16xf32>
      %convert_element_type3A_131 = arith.fptosi %mul3A_130 : vector<16xf32> to vector<16xi32>
      %convert_element_type3A_132 = arith.sitofp %convert_element_type3A_131 : vector<16xi32> to vector<16xf32>
      %sub3A_133 = arith.subf %mul3A_130, %convert_element_type3A_132 : vector<16xf32>
      %max3A = arith.constant 0 : i32
      %max3A_134 = vector.broadcast %max3A : i32 to vector<16xi32>
      %max3A_135 = arith.maxsi %convert_element_type3A_131, %max3A_134 : vector<16xi32>
      %min3A_136 = arith.constant 4092 : i32
      %min3A_137 = vector.broadcast %min3A_136 : i32 to vector<16xi32>
      %min3A_138 = arith.minsi %max3A_135, %min3A_137 : vector<16xi32>
      %mul3A_139 = arith.mulf %sub3A_133, %sub3A_133 : vector<16xf32>
      %mul3A_140 = arith.mulf %mul3A_139, %sub3A_133 : vector<16xf32>
      %mul3A_141 = arith.constant 0.166666672 : f32
      %mul3A_142 = vector.broadcast %mul3A_141 : f32 to vector<16xf32>
      %mul3A_143 = arith.mulf %mul3A_140, %mul3A_142 : vector<16xf32>
      %mul3A_144 = arith.constant 5.000000e-01 : f32
      %mul3A_145 = vector.broadcast %mul3A_144 : f32 to vector<16xf32>
      %mul3A_146 = arith.mulf %mul3A_145, %mul3A_140 : vector<16xf32>
      %sub3A_147 = arith.subf %mul3A_146, %mul3A_139 : vector<16xf32>
      %add3A_148 = arith.constant 0.666666686 : f32
      %add3A_149 = vector.broadcast %add3A_148 : f32 to vector<16xf32>
      %add3A_150 = arith.addf %sub3A_147, %add3A_149 : vector<16xf32>
      %sub3A_151 = arith.constant 0.166666672 : f32
      %sub3A_152 = vector.broadcast %sub3A_151 : f32 to vector<16xf32>
      %sub3A_153 = arith.subf %sub3A_152, %mul3A_143 : vector<16xf32>
      %sub3A_154 = arith.subf %mul3A_139, %sub3A_133 : vector<16xf32>
      %mul3A_155 = arith.constant 5.000000e-01 : f32
      %mul3A_156 = vector.broadcast %mul3A_155 : f32 to vector<16xf32>
      %mul3A_157 = arith.mulf %mul3A_156, %sub3A_154 : vector<16xf32>
      %add3A_158 = arith.addf %sub3A_153, %mul3A_157 : vector<16xf32>
      %add3A_159 = arith.addf %add3A_158, %add3A_150 : vector<16xf32>
      %add3A_160 = arith.addf %add3A_159, %mul3A_143 : vector<16xf32>
      %sub3A_161 = arith.constant 1.000000e+00 : f32
      %sub3A_162 = vector.broadcast %sub3A_161 : f32 to vector<16xf32>
      %sub3A_163 = arith.subf %sub3A_162, %add3A_160 : vector<16xf32>
      %gather3A = tpu.vector_load_idx %arg5[%min3A_138] : memref<4096xf32, #tpu.memory_space<vmem>>[vector<16xi32>], vector<16xf32>,
      %mul3A_164 = arith.mulf %add3A_158, %gather3A : vector<16xf32>
      %add3A_165 = arith.constant 1 : i32
      %add3A_166 = vector.broadcast %add3A_165 : i32 to vector<16xi32>
      %add3A_167 = arith.addi %min3A_138, %add3A_166 : vector<16xi32>
      %gather3A_168 = tpu.vector_load_idx %arg5[%add3A_167] : memref<4096xf32, #tpu.memory_space<vmem>>[vector<16xi32>], vector<16xf32>,
      %mul3A_169 = arith.mulf %add3A_150, %gather3A_168 : vector<16xf32>
      %add3A_170 = arith.addf %mul3A_164, %mul3A_169 : vector<16xf32>
      %add3A_171 = arith.constant 2 : i32
      %add3A_172 = vector.broadcast %add3A_171 : i32 to vector<16xi32>
      %add3A_173 = arith.addi %min3A_138, %add3A_172 : vector<16xi32>
      %gather3A_174 = tpu.vector_load_idx %arg5[%add3A_173] : memref<4096xf32, #tpu.memory_space<vmem>>[vector<16xi32>], vector<16xf32>,
      %mul3A_175 = arith.mulf %sub3A_163, %gather3A_174 : vector<16xf32>
      %add3A_176 = arith.addf %add3A_170, %mul3A_175 : vector<16xf32>
      %add3A_177 = arith.constant 3 : i32
      %add3A_178 = vector.broadcast %add3A_177 : i32 to vector<16xi32>
      %add3A_179 = arith.addi %min3A_138, %add3A_178 : vector<16xi32>
      %gather3A_180 = tpu.vector_load_idx %arg5[%add3A_179] : memref<4096xf32, #tpu.memory_space<vmem>>[vector<16xi32>], vector<16xf32>,
      %mul3A_181 = arith.mulf %mul3A_143, %gather3A_180 : vector<16xf32>
      %add3A_182 = arith.addf %add3A_176, %mul3A_181 : vector<16xf32>
      %mul3A_183 = arith.constant 16 : i32
      %mul3A_184 = arith.muli %scan3A_118, %mul3A_183 : i32
      %swap3A = arith.index_cast %mul3A_184 : i32 to index
      %swap3A_185 = tpu.vector_load %arg9[%swap3A] {strides = array<i32>} : memref<10416xf32, #tpu.memory_space<vmem>>, vector<16xf32>,
      tpu.vector_store %arg9[%swap3A], %add3A_182 {strides = array<i32>} : memref<10416xf32, #tpu.memory_space<vmem>>, vector<16xf32>,
      %scan3A_186 = arith.constant 0 : i32
      scf.yield %scan3A_186 : i32
    }
    %scan3A_107 = arith.constant 651 : i32
    %add3A_108 = arith.constant 52080 : i32
    %add3A_109 = arith.addi %add3A_6, %add3A_108 : i32
    %dma_start3A_110 = tpu.memref_slice %arg4[%add3A_109] : memref<2000000xf32, #tpu.memory_space<hbm>> -> memref<10416xf32, #tpu.memory_space<hbm>>
    %dma_start3A_111 = tpu.memref_slice %arg4[%add3A_109] : memref<2000000xf32, #tpu.memory_space<hbm>> -> memref<10416xf32, #tpu.memory_space<hbm>>
    tpu.enqueue_dma source(%arg9 : memref<10416xf32, #tpu.memory_space<vmem>>) target(%dma_start3A_111 : memref<10416xf32, #tpu.memory_space<hbm>>) target_semaphore(%arg13 : memref<!tpu.dma_semaphore, #tpu.memory_space<semaphore_mem>>)
    %dma_wait3A_112 = tpu.memref_slice %arg4[%add3A_94] : memref<2000000xf32, #tpu.memory_space<hbm>> -> memref<10416xf32, #tpu.memory_space<hbm>>
    %dma_wait3A_113 = tpu.memref_slice %arg4[%add3A_94] : memref<2000000xf32, #tpu.memory_space<hbm>> -> memref<10416xf32, #tpu.memory_space<hbm>>
    tpu.wait_dma2 semaphore(%arg12 : memref<!tpu.dma_semaphore, #tpu.memory_space<semaphore_mem>>) src(%arg8 : memref<10416xf32, #tpu.memory_space<vmem>>) dst(%dma_wait3A_113 : memref<10416xf32, #tpu.memory_space<hbm>>)
    %dma_wait3A_114 = tpu.memref_slice %arg4[%add3A_109] : memref<2000000xf32, #tpu.memory_space<hbm>> -> memref<10416xf32, #tpu.memory_space<hbm>>
    %dma_wait3A_115 = tpu.memref_slice %arg4[%add3A_109] : memref<2000000xf32, #tpu.memory_space<hbm>> -> memref<10416xf32, #tpu.memory_space<hbm>>
    tpu.wait_dma2 semaphore(%arg13 : memref<!tpu.dma_semaphore, #tpu.memory_space<semaphore_mem>>) src(%arg9 : memref<10416xf32, #tpu.memory_space<vmem>>) dst(%dma_wait3A_115 : memref<10416xf32, #tpu.memory_space<hbm>>)
    %lt3A = arith.constant 8 : i32
    %lt3A_116 = arith.cmpi slt, %add3A, %lt3A : i32
    %convert_element_type3A = arith.extui %lt3A_116 : i1 to i32
    %cond3A = arith.constant 0 : i32
    %cond3A_117 = arith.cmpi ne, %convert_element_type3A, %cond3A : i32
    scf.if %cond3A_117 {
      %add3A_118 = arith.constant 62496 : i32
      %add3A_119 = arith.addi %add3A_6, %add3A_118 : i32
      "tpu.region"() ({
        %run_scoped3A = tpu.sem_alloc : memref<!tpu.dma_semaphore, #tpu.memory_space<semaphore_mem>>
        %dma_start3A_182 = arith.constant 0 : i32
        %dma_start3A_183 = tpu.memref_slice %arg6[%dma_start3A_182] : memref<10416xf32, #tpu.memory_space<vmem>> -> memref<16xf32, #tpu.memory_space<vmem>>
        %dma_start3A_184 = tpu.memref_slice %arg2[%add3A_119] : memref<2000000xf32, #tpu.memory_space<hbm>> -> memref<16xf32, #tpu.memory_space<hbm>>
        %dma_start3A_185 = arith.constant 0 : i32
        %dma_start3A_186 = tpu.memref_slice %arg6[%dma_start3A_185] : memref<10416xf32, #tpu.memory_space<vmem>> -> memref<16xf32, #tpu.memory_space<vmem>>
        %dma_start3A_187 = tpu.memref_slice %arg2[%add3A_119] : memref<2000000xf32, #tpu.memory_space<hbm>> -> memref<16xf32, #tpu.memory_space<hbm>>
        tpu.enqueue_dma source(%dma_start3A_187 : memref<16xf32, #tpu.memory_space<hbm>>) target(%dma_start3A_186 : memref<16xf32, #tpu.memory_space<vmem>>) target_semaphore(%run_scoped3A : memref<!tpu.dma_semaphore, #tpu.memory_space<semaphore_mem>>)
        %dma_wait3A_188 = arith.constant 0 : i32
        %dma_wait3A_189 = tpu.memref_slice %arg6[%dma_wait3A_188] : memref<10416xf32, #tpu.memory_space<vmem>> -> memref<16xf32, #tpu.memory_space<vmem>>
        %dma_wait3A_190 = tpu.memref_slice %arg2[%add3A_119] : memref<2000000xf32, #tpu.memory_space<hbm>> -> memref<16xf32, #tpu.memory_space<hbm>>
        %dma_wait3A_191 = arith.constant 0 : i32
        %dma_wait3A_192 = tpu.memref_slice %arg6[%dma_wait3A_191] : memref<10416xf32, #tpu.memory_space<vmem>> -> memref<16xf32, #tpu.memory_space<vmem>>
        %dma_wait3A_193 = tpu.memref_slice %arg2[%add3A_119] : memref<2000000xf32, #tpu.memory_space<hbm>> -> memref<16xf32, #tpu.memory_space<hbm>>
        tpu.wait_dma2 semaphore(%run_scoped3A : memref<!tpu.dma_semaphore, #tpu.memory_space<semaphore_mem>>) src(%dma_wait3A_193 : memref<16xf32, #tpu.memory_space<hbm>>) dst(%dma_wait3A_192 : memref<16xf32, #tpu.memory_space<vmem>>)
        tpu.yield
      }) : () -> ()
      %get3A = arith.constant 0 : index
      %get3A_120 = tpu.vector_load %arg6[%get3A] {strides = array<i32>} : memref<10416xf32, #tpu.memory_space<vmem>>, vector<16xf32>,
      %sub3A = arith.constant -1.00048864 : f32
      %sub3A_121 = vector.broadcast %sub3A : f32 to vector<16xf32>
      %sub3A_122 = arith.subf %get3A_120, %sub3A_121 : vector<16xf32>
      %sub3A_123 = arith.constant 4.88639169E-4 : f32
      %sub3A_124 = vector.broadcast %sub3A_123 : f32 to vector<16xf32>
      %sub3A_125 = arith.subf %sub3A_122, %sub3A_124 : vector<16xf32>
      %mul3A_126 = arith.constant 2.046500e+03 : f32
      %mul3A_127 = vector.broadcast %mul3A_126 : f32 to vector<16xf32>
      %mul3A_128 = arith.mulf %sub3A_125, %mul3A_127 : vector<16xf32>
      %convert_element_type3A_129 = arith.fptosi %mul3A_128 : vector<16xf32> to vector<16xi32>
      %convert_element_type3A_130 = arith.sitofp %convert_element_type3A_129 : vector<16xi32> to vector<16xf32>
      %sub3A_131 = arith.subf %mul3A_128, %convert_element_type3A_130 : vector<16xf32>
      %max3A = arith.constant 0 : i32
      %max3A_132 = vector.broadcast %max3A : i32 to vector<16xi32>
      %max3A_133 = arith.maxsi %convert_element_type3A_129, %max3A_132 : vector<16xi32>
      %min3A_134 = arith.constant 4092 : i32
      %min3A_135 = vector.broadcast %min3A_134 : i32 to vector<16xi32>
      %min3A_136 = arith.minsi %max3A_133, %min3A_135 : vector<16xi32>
      %mul3A_137 = arith.mulf %sub3A_131, %sub3A_131 : vector<16xf32>
      %mul3A_138 = arith.mulf %mul3A_137, %sub3A_131 : vector<16xf32>
      %mul3A_139 = arith.constant 0.166666672 : f32
      %mul3A_140 = vector.broadcast %mul3A_139 : f32 to vector<16xf32>
      %mul3A_141 = arith.mulf %mul3A_138, %mul3A_140 : vector<16xf32>
      %mul3A_142 = arith.constant 5.000000e-01 : f32
      %mul3A_143 = vector.broadcast %mul3A_142 : f32 to vector<16xf32>
      %mul3A_144 = arith.mulf %mul3A_143, %mul3A_138 : vector<16xf32>
      %sub3A_145 = arith.subf %mul3A_144, %mul3A_137 : vector<16xf32>
      %add3A_146 = arith.constant 0.666666686 : f32
      %add3A_147 = vector.broadcast %add3A_146 : f32 to vector<16xf32>
      %add3A_148 = arith.addf %sub3A_145, %add3A_147 : vector<16xf32>
      %sub3A_149 = arith.constant 0.166666672 : f32
      %sub3A_150 = vector.broadcast %sub3A_149 : f32 to vector<16xf32>
      %sub3A_151 = arith.subf %sub3A_150, %mul3A_141 : vector<16xf32>
      %sub3A_152 = arith.subf %mul3A_137, %sub3A_131 : vector<16xf32>
      %mul3A_153 = arith.constant 5.000000e-01 : f32
      %mul3A_154 = vector.broadcast %mul3A_153 : f32 to vector<16xf32>
      %mul3A_155 = arith.mulf %mul3A_154, %sub3A_152 : vector<16xf32>
      %add3A_156 = arith.addf %sub3A_151, %mul3A_155 : vector<16xf32>
      %add3A_157 = arith.addf %add3A_156, %add3A_148 : vector<16xf32>
      %add3A_158 = arith.addf %add3A_157, %mul3A_141 : vector<16xf32>
      %sub3A_159 = arith.constant 1.000000e+00 : f32
      %sub3A_160 = vector.broadcast %sub3A_159 : f32 to vector<16xf32>
      %sub3A_161 = arith.subf %sub3A_160, %add3A_158 : vector<16xf32>
      %gather3A = tpu.vector_load_idx %arg5[%min3A_136] : memref<4096xf32, #tpu.memory_space<vmem>>[vector<16xi32>], vector<16xf32>,
      %mul3A_162 = arith.mulf %add3A_156, %gather3A : vector<16xf32>
      %add3A_163 = arith.constant 1 : i32
      %add3A_164 = vector.broadcast %add3A_163 : i32 to vector<16xi32>
      %add3A_165 = arith.addi %min3A_136, %add3A_164 : vector<16xi32>
      %gather3A_166 = tpu.vector_load_idx %arg5[%add3A_165] : memref<4096xf32, #tpu.memory_space<vmem>>[vector<16xi32>], vector<16xf32>,
      %mul3A_167 = arith.mulf %add3A_148, %gather3A_166 : vector<16xf32>
      %add3A_168 = arith.addf %mul3A_162, %mul3A_167 : vector<16xf32>
      %add3A_169 = arith.constant 2 : i32
      %add3A_170 = vector.broadcast %add3A_169 : i32 to vector<16xi32>
      %add3A_171 = arith.addi %min3A_136, %add3A_170 : vector<16xi32>
      %gather3A_172 = tpu.vector_load_idx %arg5[%add3A_171] : memref<4096xf32, #tpu.memory_space<vmem>>[vector<16xi32>], vector<16xf32>,
      %mul3A_173 = arith.mulf %sub3A_161, %gather3A_172 : vector<16xf32>
      %add3A_174 = arith.addf %add3A_168, %mul3A_173 : vector<16xf32>
      %add3A_175 = arith.constant 3 : i32
      %add3A_176 = vector.broadcast %add3A_175 : i32 to vector<16xi32>
      %add3A_177 = arith.addi %min3A_136, %add3A_176 : vector<16xi32>
      %gather3A_178 = tpu.vector_load_idx %arg5[%add3A_177] : memref<4096xf32, #tpu.memory_space<vmem>>[vector<16xi32>], vector<16xf32>,
      %mul3A_179 = arith.mulf %mul3A_141, %gather3A_178 : vector<16xf32>
      %add3A_180 = arith.addf %add3A_174, %mul3A_179 : vector<16xf32>
      %swap3A = arith.constant 0 : index
      %swap3A_181 = tpu.vector_load %arg8[%swap3A] {strides = array<i32>} : memref<10416xf32, #tpu.memory_space<vmem>>, vector<16xf32>,
      tpu.vector_store %arg8[%swap3A], %add3A_180 {strides = array<i32>} : memref<10416xf32, #tpu.memory_space<vmem>>, vector<16xf32>,
      "tpu.region"() ({
        %run_scoped3A = tpu.sem_alloc : memref<!tpu.dma_semaphore, #tpu.memory_space<semaphore_mem>>
        %dma_start3A_182 = arith.constant 0 : i32
        %dma_start3A_183 = tpu.memref_slice %arg8[%dma_start3A_182] : memref<10416xf32, #tpu.memory_space<vmem>> -> memref<16xf32, #tpu.memory_space<vmem>>
        %dma_start3A_184 = tpu.memref_slice %arg4[%add3A_119] : memref<2000000xf32, #tpu.memory_space<hbm>> -> memref<16xf32, #tpu.memory_space<hbm>>
        %dma_start3A_185 = tpu.memref_slice %arg4[%add3A_119] : memref<2000000xf32, #tpu.memory_space<hbm>> -> memref<16xf32, #tpu.memory_space<hbm>>
        %dma_start3A_186 = arith.constant 0 : i32
        %dma_start3A_187 = tpu.memref_slice %arg8[%dma_start3A_186] : memref<10416xf32, #tpu.memory_space<vmem>> -> memref<16xf32, #tpu.memory_space<vmem>>
        tpu.enqueue_dma source(%dma_start3A_187 : memref<16xf32, #tpu.memory_space<vmem>>) target(%dma_start3A_185 : memref<16xf32, #tpu.memory_space<hbm>>) target_semaphore(%run_scoped3A : memref<!tpu.dma_semaphore, #tpu.memory_space<semaphore_mem>>)
        %dma_wait3A_188 = arith.constant 0 : i32
        %dma_wait3A_189 = tpu.memref_slice %arg8[%dma_wait3A_188] : memref<10416xf32, #tpu.memory_space<vmem>> -> memref<16xf32, #tpu.memory_space<vmem>>
        %dma_wait3A_190 = tpu.memref_slice %arg4[%add3A_119] : memref<2000000xf32, #tpu.memory_space<hbm>> -> memref<16xf32, #tpu.memory_space<hbm>>
        %dma_wait3A_191 = tpu.memref_slice %arg4[%add3A_119] : memref<2000000xf32, #tpu.memory_space<hbm>> -> memref<16xf32, #tpu.memory_space<hbm>>
        %dma_wait3A_192 = arith.constant 0 : i32
        %dma_wait3A_193 = tpu.memref_slice %arg8[%dma_wait3A_192] : memref<10416xf32, #tpu.memory_space<vmem>> -> memref<16xf32, #tpu.memory_space<vmem>>
        tpu.wait_dma2 semaphore(%run_scoped3A : memref<!tpu.dma_semaphore, #tpu.memory_space<semaphore_mem>>) src(%dma_wait3A_193 : memref<16xf32, #tpu.memory_space<vmem>>) dst(%dma_wait3A_191 : memref<16xf32, #tpu.memory_space<hbm>>)
        tpu.yield
      }) : () -> ()
    } else {
    }
    return
  }
}

</mosaic_0001>

<sc_bundles>
// kernel: kernel.3.cloned.1.call-start
scs
__scs_entry_jumppad:
0x0: {  	(pc) =	sbr.rel $0x88, $3  }
0x1: {  	(tag) =	ssettag $0x0;
	lr =	simm.s32 $0x1  }
0x2: {  	[smem:$0x3F9F] =	sst lr;
	_ =	strace $0xD0000000  }
0x3: {  	_ = 	snop  }
0x4: {  	_ = 	snop  }
0x5: {  	_ = 	snop  }
0x6: {  	_ = 	snop  }
0x7: {  	_ = 	snop  }
__scs_overlays_trampoline_lowered:
0x8: {  	[smem:$0x3FAE] =	sst s0  }
0x9: {  	[smem:$0x3FAF] =	sst s1  }
0xa: {  	[smem:$0x3FB0] =	sst s2  }
0xb: {  	[smem:$0x3FB1] =	sst s3  }
0xc: {  	[smem:$0x3FB2] =	sst s4  }
0xd: {  	[smem:$0x3FB3] =	sst s5  }
0xe: {  	[smem:$0x3FB4] =	sst s6  }
0xf: {  	[smem:$0x3FB5] =	sst s7  }
0x10: {  	[smem:$0x3FB6] =	sst s8  }
0x11: {  	[smem:$0x3FB7] =	sst s9;
	s0 =	simm.s32 @!p0 $0x0  }
0x12: {  	s1 =	sld [smem:$0x3F9D];
	s0 =	simm.s32 @p0 $0x1  }
0x13: {  	[smem:$0x3FB8] =	sst s0;
	s0 =	simm.s32 @!p1 $0x0  }
0x14: {  	s2 =	sld [smem:$0x3F9C];
	s0 =	simm.s32 @p1 $0x1  }
0x15: {  	[smem:$0x3FB9] =	sst s0;
	s0 =	simm.s32 @!p2 $0x0  }
0x16: {  	s3 =	sld [smem:$0x3FDB];
	s0 =	simm.s32 @p2 $0x1  }
0x17: {  	s4 =	simm.s32 $0x1BF5;
	[smem:$0x3FBB] =	sst s0  }
0x18: {  	s0 =	sld [smem:$0x3F9E];
	_ =	swait.ge [sflag:s4], $0x0  }
0x19: {  	s7 =	sld [smem:$0x3F9F]  }
0x1a: {  	s8 =	sadd.s32 $0xFFFFE003, lr  }
0x1b: {  	s9 =	sadd.s32 $0xFFFFFEF7, lr;
	s5 =	simm.s32 $0xFFFFFFFF;
	p2 =	slt.u32 s8, $0xFFFFF086  }
0x1c: {  	p1 =	slt.u32 s9, $0xF7A;
	s5 =	simm.s32 @!p2 $0x0  }
0x1d: {  	s5 =	simm.s32 @p1 $0x1;
	p0 =	seq.s32 s7, s2  }
0x1e: {  	s7 =	smul.u32 @!p0 $0xF7A, s2;
	p2 =	seq.s32 @!p0 s5, $0x0  }
0x1f: {  	s9 =	smul.u32 $0xF7A, s1;
	s8 =	simm.s32 @!p0 $0x1BF5;
	p2 =	por !p2, p0  }
0x20: {  	[sflag:s8] =	ssyncset.s32 @!p0 $0xFFFFF086;
	s6 =	sadd.s32 @!p0 s3, s7;
	s7 =	simm.s32 @!p0 $0x108  }
0x21: {  	s3 =	sadd.s32 s3, s9;
	s6 =	sadd.s32 @!p0 $0x88, s6;
	s7 =	simm.s32 @p2 $0x1082  }
0x22: {  	[simem:s7], [sflag:s8] =	dma.local @!p0 [hbm:s6], $0xF7A  }
0x23: {  	s9 =	sor.u32 $0xD0000000, s2;
	s6 =	simm.s32 $0x108;
	_ =	swait.ge @!p0 [sflag:s8], $0x0  }
0x24: {  	s3 =	sadd.s32 $0x88, s3;
	s6 =	simm.s32 @!p1 $0x1082;
	[sflag:s4] =	ssyncset.s32 $0xFFFFF086  }
0x25: {  	[simem:s6], [sflag:s4] =	dma.local [hbm:s3], $0xF7A  }
0x26: {  	[smem:$0x3F9F] =	sst s1;
	(tag) =	ssettag s2;
	_ =	strace s9  }
0x27: {  	s1 =	sld [smem:$0x3FAF]  }
0x28: {  	s2 =	sld [smem:$0x3FB0]  }
0x29: {  	s4 =	sld [smem:$0x3FB2]  }
0x2a: {  	p0 =	seq.s32 s5, $0x0;
	s5 =	sld [smem:$0x3FB3]  }
0x2b: {  	s6 =	sld [smem:$0x3FB4]  }
0x2c: {  	s7 =	sld [smem:$0x3FB5]  }
0x2d: {  	s3 =	simm.s32 $0x108;
	s8 =	sld [smem:$0x3FB6]  }
0x2e: {  	s3 =	simm.s32 @!p0 $0x1082;
	s9 =	sld [smem:$0x3FB7]  }
0x2f: {  	lr =	sadd.s32 s0, s3;
	s0 =	sld [smem:$0x3FAE]  }
0x30: {  	s3 =	sld [smem:$0x3FB1]  }
0x31: {  	[smem:$0x3FBA] =	sst s10  }
0x32: {  	s10 =	sld [smem:$0x3FB8];
	_ =	sdelay $0x3  }
0x33: {  	p0 =	seq.s32 s10, $0x1;
	s10 =	sld [smem:$0x3FBA];
	_ =	sdelay $0x3  }
0x34: {  	[smem:$0x3FBA] =	sst s10  }
0x35: {  	s10 =	sld [smem:$0x3FB9];
	_ =	sdelay $0x3  }
0x36: {  	p1 =	seq.s32 s10, $0x1;
	s10 =	sld [smem:$0x3FBA];
	_ =	sdelay $0x3  }
0x37: {  	[smem:$0x3FBA] =	sst s10  }
0x38: {  	s10 =	sld [smem:$0x3FBB]  }
0x39: {  	_ = 	snop;
	(pc) =	sbr.ind lr, $3  }
0x3a: {  	_ = 	snop  }
0x3b: {  	_ = 	snop  }
0x3c: {  	p2 =	seq.s32 s10, $0x1;
	s10 =	sld [smem:$0x3FBA]  }
0x3d: {  	_ =	shalt  }
0x3e: {  	_ =	shalt  }
0x3f: {  	_ =	shalt  }
0x40: {  	_ =	shalt  }
0x41: {  	_ =	shalt  }
0x42: {  	_ =	shalt  }
0x43: {  	_ =	shalt  }
0x44: {  	_ =	shalt  }
0x45: {  	_ =	shalt  }
0x46: {  	_ =	shalt  }
0x47: {  	_ =	shalt  }
0x48: {  	_ =	shalt  }
0x49: {  	_ =	shalt  }
0x4a: {  	_ =	shalt  }
0x4b: {  	_ =	shalt  }
0x4c: {  	_ =	shalt  }
0x4d: {  	_ =	shalt  }
0x4e: {  	_ =	shalt  }
0x4f: {  	_ =	shalt  }
0x50: {  	_ =	shalt  }
0x51: {  	_ =	shalt  }
0x52: {  	_ =	shalt  }
0x53: {  	_ =	shalt  }
0x54: {  	_ =	shalt  }
0x55: {  	_ =	shalt  }
0x56: {  	_ =	shalt  }
0x57: {  	_ =	shalt  }
0x58: {  	_ =	shalt  }
0x59: {  	_ =	shalt  }
0x5a: {  	_ =	shalt  }
0x5b: {  	_ =	shalt  }
0x5c: {  	_ =	shalt  }
0x5d: {  	_ =	shalt  }
0x5e: {  	_ =	shalt  }
0x5f: {  	_ =	shalt  }
0x60: {  	_ =	shalt  }
0x61: {  	_ =	shalt  }
0x62: {  	_ =	shalt  }
0x63: {  	_ =	shalt  }
0x64: {  	_ =	shalt  }
0x65: {  	_ =	shalt  }
0x66: {  	_ =	shalt  }
0x67: {  	_ =	shalt  }
0x68: {  	_ =	shalt  }
0x69: {  	_ =	shalt  }
0x6a: {  	_ =	shalt  }
0x6b: {  	_ =	shalt  }
0x6c: {  	_ =	shalt  }
0x6d: {  	_ =	shalt  }
0x6e: {  	_ =	shalt  }
0x6f: {  	_ =	shalt  }
0x70: {  	_ =	shalt  }
0x71: {  	_ =	shalt  }
0x72: {  	_ =	shalt  }
0x73: {  	_ =	shalt  }
0x74: {  	_ =	shalt  }
0x75: {  	_ =	shalt  }
0x76: {  	_ =	shalt  }
0x77: {  	_ =	shalt  }
0x78: {  	_ =	shalt  }
0x79: {  	_ =	shalt  }
0x7a: {  	_ =	shalt  }
0x7b: {  	_ =	shalt  }
0x7c: {  	_ =	shalt  }
0x7d: {  	_ =	shalt  }
0x7e: {  	_ =	shalt  }
0x7f: {  	_ =	shalt  }
0x80: {  	_ =	shalt  }
0x81: {  	_ =	shalt  }
0x82: {  	_ =	shalt  }
0x83: {  	_ =	shalt  }
0x84: {  	_ =	shalt  }
0x85: {  	_ =	shalt  }
0x86: {  	_ =	shalt  }
0x87: {  	_ =	shalt  }
.Lfunc_end0:
.L_simem_size_0:
called_computation_lowered:
.L_overlay_start_0:
0x88: {  	s2 =	sld [smem:$0x3FD9]  }
0x89: {  	s3 =	sld [smem:$0x3FFE];
	_ =	sdelay $0x1  }
0x8a: {  	s1 =	srdreg.scid  }
0x8b: {  	s0 =	sand.u32 $0x1, s1  }
0x8c: {  	s18 =	sshll.u32 s0, $0xA;
	s2 =	sadd.s32 s3, s2  }
0x8d: {  	s2 =	sadd.s32 s2, s18  }
0x8e: {  	[smem:$0x3FC6] =	sst s2  }
0x8f: {  	_ = 	snop  }
0x90: {  	s2 =	sld [smem:$0x3FC9]  }
0x91: {  	s19 =	sld [smem:$0x3FC8]  }
0x92: {  	s4 =	sld [smem:$0x3FD0];
	(tm) =	ssettm $0x1  }
0x93: {  	s5 =	sld [smem:$0x3FFB];
	_ =	sdelay $0x3  }
0x94: {  	_ =	strace s5  }
0x95: {  	s5 =	sld [smem:$0x3FFC];
	_ =	sdelay $0x3  }
0x96: {  	_ =	strace s5  }
0x97: {  	s5 =	sld [smem:$0x3FFD];
	_ =	sdelay $0x3  }
0x98: {  	_ =	strace s5  }
0x99: {  	_ =	strace $0x8FFFFFFF  }
0x9a: {  	s20 =	sld [smem:$0x3FDB];
	_ =	sdelay $0x1  }
0x9b: {  	s6 =	simm.s32 $_scs_section_size  }
0x9c: {  	s7 =	simm.s32 $_size__tile_overlayer_lowered;
	s8 =	simm.s32 $_tile_overlayer_lowered  }
0x9d: {  	s23 =	simm.s32 $0x1BFF;
	s22 =	sshll.u32 s8, $0x1;
	s5 =	sadd.s32 s6, s20  }
0x9e: {  	s9 =	simm.s32 $0x0;
	s21 =	sshll.u32 s7, $0x1;
	s7 =	sadd.s32 s22, s5  }
0x9f: {  	[timem:s9], [sflag:s23] =	dma.local [hbm:s7], s21  }
0xa0: {  	_ =	swait.ge [sflag:s23], s21  }
0xa1: {  	s6 =	ssub.s32 $0x0, s21;
	[sflag:s23] =	ssyncset.done $0x0  }
0xa2: {  	[sflag:s23] =	ssyncadd.s32 s6;
	_ =	sdelay $0x1  }
0xa3: {  	s24 =	simm.s32 $0x1B8B  }
0xa4: {  	_ =	swait.ge [sflag:s24], $0x1  }
0xa5: {  	[sflag:s24] =	ssyncset.done $0x0  }
0xa6: {  	s25 =	simm.s32 $0x1B8E;
	[sflag:s24] =	ssyncadd.s32 $0xFFFFFFFF  }
0xa7: {  	s26 =	simm.s32 $execute0_lowered;
	[smem:$0x3FD2] =	sst s25  }
0xa8: {  	s6 =	sshll.u32 s26, $0x1;
	_ =	strace $0x80000046;
	[dreg:$0x1] =	wrdreg $0xFFFFFFFF  }
0xa9: {  	s28 =	simm.s32 $_size_execute0_lowered;
	s5 =	sadd.s32 s5, s6;
	[dreg:$0x0] =	wrdreg $0x0  }
0xaa: {  	s6 =	sshll.u32 s28, $0x1;
	[dreg:$0x2] =	wrdreg s5  }
0xab: {  	[dreg:$0x3] =	wrdreg s6  }
0xac: {  	[dreg:$0x4] =	wrdreg $0xC0  }
0xad: {  	_ =	task [dreg:s9], $0x5FFFF  }
0xae: {  	[dreg:$0x1] =	wrdreg $0xFFFFFFFF  }
0xaf: {  	[dreg:$0x0] =	wrdreg $0x60  }
0xb0: {  	[dreg:$0x2] =	wrdreg s2  }
0xb1: {  	[dreg:$0x3] =	wrdreg s19  }
0xb2: {  	[dreg:$0x4] =	wrdreg s4  }
0xb3: {  	[dreg:$0x5] =	wrdreg $0x9  }
0xb4: {  	_ =	task.clear_ibuf [dreg:s9], $0x6FFFF;
	_ =	strace $0x90000046  }
0xb5: {  	s29 =	simm.s32 $0x9;
	_ =	strace $0x80000048  }
0xb6: {  	_ =	swait.ge [sflag:s29], $0x1  }
0xb7: {  	[sflag:s29] =	ssyncadd.s32 $0xFFFFFFFF  }
0xb8: {  	_ =	strace $0x90000048  }
0xb9: {  	_ =	sfence  }
0xba: {  	s30 =	sld [smem:$0x0];
	_ =	sdelay $0x2  }
0xbb: {  	s31 =	sshll.u32 s1, $0xD;
	s1 =	sshrl.u32 s1, $0x2  }
0xbc: {  	s3 =	sand.u32 $0x4000, s31;
	s1 =	sadd.s32 s1, s30  }
0xbd: {  	s0 =	sor.u32 s3, s0;
	s1 =	sshll.u32 s1, $0x11  }
0xbe: {  	s0 =	sor.u32 s1, s0  }
0xbf: {  	s0 =	sadd.s32 $0x8F2B, s0  }
0xc0: {  	[sflag:s0] =	ssyncadd.remote.s32 $0x1  }
0xc1: {  	_ =	sfence.sel $0xFFFF  }
0xc2: {  	[dreg:$0x0] =	wrdreg $0xFFFFFFFF;
	(pc) =	sbr.abs _section_cstart, $3  }
0xc3: {  	[dreg:$0x1] =	wrdreg $0xFFFFFFFF  }
0xc4: {  	_ =	task.clear_ibuf [dreg:s9], $0x2FFFF;
	_ =	strace $0x9FFFFFFF  }
0xc5: {  	(tm) =	ssettm $0x7FFFFFFF  }
tec
execute0_lowered:
.L_overlay_start_1:
0x0: {  	(tag) =	ssettag $0x1  }
0x1: {  	s1 =	rddreg [dreg:$0x0]  }
0x2: {  	s0 =	srdreg.scid;
	s2 =	rddreg [dreg:$0x1]  }
0x3: {  	s26 =	stileid.u32;
	s17 =	rddreg [dreg:$0x2];
	s19 =	simm.s32 $0x1000  }
0x4: {  	s20 =	simm.s32 $0x5;
	s21 =	simm.s32 $0x3900;
	s22 =	simm.s32 $0x1  }
0x5: {  	s23 =	simm.s32 $0x6200;
	s24 =	simm.s32 $0x2;
	s25 =	simm.s32 $0x8B00  }
0x6: {  	s28 =	simm.s32 $0x4;
	s0 =	sand.u32 $0x1, s0;
	s3 =	sshll.u32 s26, $0x1  }
0x7: {  	s29 =	simm.s32 $0x0;
	p0 =	sgt.u32 s26, $0x3;
	s3 =	sor.u32 s0, s3  }
0x8: {  	s26 =	simm.s32 $0x3;
	s4 =	smul.u32 $0xF420, s3;
	s5 =	smin.u32 s3, $0x8  }
0x9: {  	s0 =	ssub.s32 $0x2, s0;
	s3 =	simm.s32 $0x0;
	s5 =	sshll.u32 s5, $0x4  }
0xa: {  	s31 =	sshrl.u32 s0, $0x1;
	[smem:$0x7FF] =	sst s3;
	s4 =	sadd.s32 s4, s5  }
0xb: {  	s0 =	ssub.s32 s0, s31;
	_ =	strace $0x80000047;
	s15 =	sshrl.u32 s4, $0x3  }
0xc: {  	s4 =	sadd.s32 s1, s15;
	s8 =	sadd.s32 $0x516, s15;
	s6 =	sadd.s32 s17, s15  }
0xd: {  	s10 =	sadd.s32 $0xA2C, s15;
	s12 =	sadd.s32 $0xF42, s15;
	s14 =	sadd.s32 $0x1458, s15  }
0xe: {  	s16 =	sadd.s32 $0x196E, s15;
	s18 =	sadd.s32 $0x1E84, s15;
	s5 =	sadd.s32 s1, s8  }
0xf: {  	s7 =	sadd.s32 s1, s10;
	s8 =	sadd.s32 s17, s8;
	s9 =	sadd.s32 s1, s12  }
0x10: {  	s10 =	sadd.s32 s17, s10;
	s11 =	sadd.s32 s1, s14;
	s12 =	sadd.s32 s17, s12  }
0x11: {  	s13 =	sadd.s32 s1, s16;
	s14 =	sadd.s32 s17, s14;
	s15 =	sadd.s32 s17, s16  }
0x12: {  	s16 =	sadd.s32 s1, s18;
	s17 =	sadd.s32 s17, s18;
	s18 =	smax.u32 s0, $0x1  }
.LBB2_1:
0x13: {  	[tilespmem:s19], [sflag:$0x1] =	stream.linear.gather [hbm4b:s4+s3], $0x28B0, $0x38;
	[tilespmem:$0xB400] =	vst v63  }
0x14: {  	_ = 	snop  }
0x15: {  	[tilespmem:s3], [sflag:$0x5] =	stream.linear.gather [hbm4b:s2+s3], $0x1000, $0x38;
	[tilespmem:$0xB400] =	vst v63  }
0x16: {  	_ =	swait.ge [sflag:s20], $0x1000  }
0x17: {  	[sflag:s20] =	ssyncset.done $0x0  }
0x18: {  	[sflag:s20] =	ssyncadd.s32 $0xFFFFF000  }
0x19: {  	[tilespmem:s21], [sflag:$0x2] =	stream.linear.gather [hbm4b:s5+s3], $0x28B0, $0x38;
	[tilespmem:$0xB400] =	vst v63  }
0x1a: {  	_ =	swait.ge [sflag:s22], $0x28B0  }
0x1b: {  	[sflag:s22] =	ssyncset.done $0x0  }
0x1c: {  	s1 =	simm.s32 $0x0;
	[sflag:s22] =	ssyncadd.s32 $0xFFFFD750  }
0x1d: {  	v0 =	vld [tilespmem:s1+$0x1000];
	_ =	sdelay $0x4  }
0x1e: {  	v0 =	vadd.f32 $1.000488640e+00, v0;
	_ =	sdelay $0x1  }
0x1f: {  	v0 =	vadd.f32 $-4.886391690e-04, v0;
	_ =	sdelay $0x1  }
0x20: {  	v0 =	vmul.f32 $2.046500000e+03, v0;
	_ =	sdelay $0x1  }
0x21: {  	v1 =	vtrunc.f32 v0  }
0x22: {  	v1 =	vcvt.f32.s32 v1  }
0x23: {  	s30 =	simm.s32 $0x10  }
0x24: {  	v2 =	vld [tilespmem:s30+$0x1000];
	v3 =	vcvt.s32.f32 v1;
	_ =	sdelay $0x1  }
0x25: {  	v0 =	vsub.f32 v0, v3;
	_ =	sdelay $0x1  }
0x26: {  	vm0 =	vgt.s32 v1, $0x0;
	v3 =	vmul.f32 v0, v0  }
0x27: {  	v2 =	vadd.f32 $1.000488640e+00, v2;
	v1 =	vnsel vm0, $0x0, v1  }
0x28: {  	v1 =	vmin.u32 v1, $0xFFC;
	v4 =	vmul.f32 v3, v0  }
0x29: {  	v2 =	vadd.f32 $-4.886391690e-04, v2;
	v7 =	vadd.s32 $0x1, v1  }
0x2a: {  	v5 =	vsub.f32 v3, v0;
	v0 =	vmul.f32 $1.666666720e-01, v4;
	v4 =	vmul.f32 $5.000000000e-01, v4  }
0x2b: {  	v11 =	vmul.f32 $2.046500000e+03, v2;
	v8 =	vadd.s32 $0x2, v1  }
0x2c: {  	v2 =	vsub.f32 v4, v3;
	v3 =	vsub.f32 $1.666666720e-01, v0;
	v4 =	vmul.f32 $5.000000000e-01, v5  }
0x2d: {  	v9 =	vtrunc.f32 v11  }
0x2e: {  	v7 =	vld.idx.msk [tilespmem:v7+s3+$0x0], $0xffff;
	v5 =	vadd.s32 $0x3, v1;
	v2 =	vadd.f32 $6.666666860e-01, v2;
	v6 =	vadd.f32 v3, v4  }
0x2f: {  	v1 =	vld.idx.msk [tilespmem:v1+s3+$0x0], $0xffff;
	v3 =	vcvt.f32.s32 v9  }
0x30: {  	v4 =	vadd.f32 v2, v6  }
0x31: {  	s31 =	simm.s32 $0x20;
	v8 =	vld.idx.msk [tilespmem:v8+s3+$0x0], $0xffff;
	v12 =	vcvt.s32.f32 v3  }
0x32: {  	v9 =	vld [tilespmem:s31+$0x1000];
	v10 =	vadd.f32 v4, v0  }
0x33: {  	s0 =	simm.s32 $0xC0;
	vm0 =	vgt.s32 v3, $0x0;
	v5 =	vld.idx.msk [tilespmem:v5+s3+$0x0], $0xffff;
	v4 =	vsub.f32 v11, v12  }
.LBB2_2:
0x34: {  	p1 =	sne.s32 s0, $0xA280;
	v10 =	vsub.f32 $1.000000000e+00, v10;
	v1 =	vmul.f32 v6, v1;
	v2 =	vmul.f32 v2, v7  }
0x35: {  	v3 =	vnsel vm0, $0x0, v3  }
0x36: {  	v6 =	vmul.f32 v4, v4;
	v1 =	vadd.f32 v2, v1;
	v2 =	vmul.f32 v10, v8  }
0x37: {  	v3 =	vmin.u32 v3, $0xFFC;
	v7 =	vadd.f32 $1.000488640e+00, v9  }
0x38: {  	v8 =	vmul.f32 v6, v4;
	v1 =	vadd.f32 v2, v1;
	v2 =	vmul.f32 v0, v5  }
0x39: {  	v4 =	vsub.f32 v6, v4;
	v5 =	vadd.f32 $-4.886391690e-04, v7;
	v7 =	vadd.s32 $0x1, v3  }
0x3a: {  	v0 =	vmul.f32 $1.666666720e-01, v8;
	v8 =	vmul.f32 $5.000000000e-01, v8;
	v1 =	vadd.f32 v1, v2  }
0x3b: {  	v11 =	vmul.f32 $2.046500000e+03, v5;
	v5 =	vadd.s32 $0x2, v3  }
0x3c: {  	v4 =	vmul.f32 $5.000000000e-01, v4;
	v2 =	vsub.f32 v8, v6;
	v6 =	vsub.f32 $1.666666720e-01, v0;
	[tilespmem:s1+$0x6200] =	vst v1;
	s1 =	smov.u32 s30;
	s30 =	smov.u32 s31  }
0x3d: {  	v12 =	vadd.s32 $0x3, v3;
	v1 =	vld.idx.msk [tilespmem:v3+s3+$0x0], $0xffff  }
0x3e: {  	v3 =	vtrunc.f32 v11;
	v2 =	vadd.f32 $6.666666860e-01, v2;
	v6 =	vadd.f32 v6, v4;
	v7 =	vld.idx.msk [tilespmem:v7+s3+$0x0], $0xffff  }
.Ltmp0:
0x3f: {  	v3 =	vcvt.f32.s32 v3;
	(pc) =	sbr.rel @p1 .LBB2_2-.Ltmp0, $4  }
0x40: {  	s31 =	sshra.s32 s0, $0x2;
	v4 =	vadd.f32 v2, v6;
	v8 =	vld.idx.msk [tilespmem:v5+s3+$0x0], $0xffff  }
0x41: {  	v13 =	vcvt.s32.f32 v3;
	v9 =	vld [tilespmem:s31+$0x1000]  }
0x42: {  	v10 =	vadd.f32 v4, v0;
	v5 =	vld.idx.msk [tilespmem:v12+s3+$0x0], $0xffff  }
0x43: {  	s0 =	sadd.s32 $0x40, s0;
	vm0 =	vgt.s32 v3, $0x0;
	v4 =	vsub.f32 v11, v13  }
0x44: {  	v10 =	vsub.f32 $1.000000000e+00, v10;
	v1 =	vmul.f32 v6, v1;
	v2 =	vmul.f32 v2, v7  }
0x45: {  	v3 =	vnsel vm0, $0x0, v3;
	v6 =	vmul.f32 v4, v4  }
0x46: {  	v1 =	vadd.f32 v2, v1;
	v2 =	vmul.f32 v10, v8;
	v7 =	vadd.f32 $1.000488640e+00, v9  }
0x47: {  	v3 =	vmin.u32 v3, $0xFFC;
	v8 =	vmul.f32 v6, v4;
	v4 =	vsub.f32 v6, v4  }
0x48: {  	v0 =	vmul.f32 v0, v5;
	v1 =	vadd.f32 v2, v1;
	v2 =	vadd.f32 $-4.886391690e-04, v7  }
0x49: {  	v5 =	vadd.s32 $0x1, v3;
	v7 =	vmul.f32 $1.666666720e-01, v8;
	v8 =	vmul.f32 $5.000000000e-01, v8  }
0x4a: {  	v4 =	vmul.f32 $5.000000000e-01, v4;
	v0 =	vadd.f32 v1, v0;
	v1 =	vmul.f32 $2.046500000e+03, v2  }
0x4b: {  	v2 =	vadd.s32 $0x2, v3;
	v6 =	vsub.f32 v8, v6;
	v8 =	vsub.f32 $1.666666720e-01, v7  }
0x4c: {  	[tilespmem:s1+$0x6200] =	vst v0;
	v0 =	vadd.s32 $0x3, v3  }
0x4d: {  	v9 =	vtrunc.f32 v1;
	v3 =	vld.idx.msk [tilespmem:v3+s3+$0x0], $0xffff;
	v6 =	vadd.f32 $6.666666860e-01, v6;
	v4 =	vadd.f32 v8, v4  }
0x4e: {  	v5 =	vld.idx.msk [tilespmem:v5+s3+$0x0], $0xffff;
	v8 =	vcvt.f32.s32 v9  }
0x4f: {  	v9 =	vadd.f32 v6, v4  }
0x50: {  	v2 =	vld.idx.msk [tilespmem:v2+s3+$0x0], $0xffff;
	v10 =	vcvt.s32.f32 v8  }
0x51: {  	v9 =	vadd.f32 v9, v7  }
0x52: {  	v0 =	vld.idx.msk [tilespmem:v0+s3+$0x0], $0xffff;
	v1 =	vsub.f32 v1, v10  }
0x53: {  	v3 =	vmul.f32 v4, v3;
	v4 =	vmul.f32 v6, v5;
	v9 =	vsub.f32 $1.000000000e+00, v9  }
0x54: {  	vm0 =	vgt.s32 v8, $0x0;
	v5 =	vmul.f32 v1, v1  }
0x55: {  	v6 =	vnsel vm0, $0x0, v8;
	v3 =	vadd.f32 v4, v3;
	v2 =	vmul.f32 v9, v2  }
0x56: {  	v4 =	vmin.u32 v6, $0xFFC;
	v6 =	vmul.f32 v5, v1  }
0x57: {  	v1 =	vsub.f32 v5, v1;
	v0 =	vmul.f32 v7, v0;
	v2 =	vadd.f32 v2, v3  }
0x58: {  	v3 =	vadd.s32 $0x1, v4;
	v7 =	vmul.f32 $1.666666720e-01, v6;
	v6 =	vmul.f32 $5.000000000e-01, v6  }
0x59: {  	v1 =	vmul.f32 $5.000000000e-01, v1;
	v0 =	vadd.f32 v2, v0  }
0x5a: {  	v2 =	vadd.s32 $0x2, v4;
	v5 =	vsub.f32 v6, v5;
	v6 =	vsub.f32 $1.666666720e-01, v7  }
0x5b: {  	[tilespmem:s30+$0x6200] =	vst v0  }
0x5c: {  	v5 =	vadd.f32 $6.666666860e-01, v5;
	v1 =	vadd.f32 v6, v1;
	v0 =	vld.idx.msk [tilespmem:v4+s3+$0x0], $0xffff;
	v4 =	vadd.s32 $0x3, v4  }
0x5d: {  	v3 =	vld.idx.msk [tilespmem:v3+s3+$0x0], $0xffff  }
0x5e: {  	v6 =	vadd.f32 v5, v1  }
0x5f: {  	v2 =	vld.idx.msk [tilespmem:v2+s3+$0x0], $0xffff  }
0x60: {  	v6 =	vadd.f32 v6, v7  }
0x61: {  	v4 =	vld.idx.msk [tilespmem:v4+s3+$0x0], $0xffff  }
0x62: {  	v6 =	vsub.f32 $1.000000000e+00, v6;
	v0 =	vmul.f32 v1, v0;
	v1 =	vmul.f32 v5, v3;
	_ =	sdelay $0x1  }
0x63: {  	v0 =	vadd.f32 v1, v0;
	v1 =	vmul.f32 v6, v2;
	_ =	sdelay $0x1  }
0x64: {  	v0 =	vadd.f32 v1, v0;
	v1 =	vmul.f32 v7, v4;
	_ =	sdelay $0x1  }
0x65: {  	v0 =	vadd.f32 v0, v1;
	_ =	sdelay $0x1  }
0x66: {  	s0 =	simm.s32 $0x0;
	[tilespmem:s31+$0x6200] =	vst v0  }
0x67: {  	[hbm4b:s6+s0] =	stream.linear.scatter [tilespmem:s23], [sflag:$0x3], $0x28B0, $0x38;
	[tilespmem:$0xB400] =	vst v63  }
0x68: {  	_ = 	snop  }
0x69: {  	[tilespmem:s19], [sflag:$0x1] =	stream.linear.gather [hbm4b:s7+s0], $0x28B0, $0x38;
	[tilespmem:$0xB400] =	vst v63  }
0x6a: {  	_ =	swait.ge [sflag:s24], $0x28B0  }
0x6b: {  	[sflag:s24] =	ssyncset.done $0x0  }
0x6c: {  	s1 =	simm.s32 $0x0;
	[sflag:s24] =	ssyncadd.s32 $0xFFFFD750  }
0x6d: {  	v0 =	vld [tilespmem:s1+$0x3900];
	_ =	sdelay $0x4  }
0x6e: {  	v0 =	vadd.f32 $1.000488640e+00, v0;
	_ =	sdelay $0x1  }
0x6f: {  	v0 =	vadd.f32 $-4.886391690e-04, v0;
	_ =	sdelay $0x1  }
0x70: {  	v0 =	vmul.f32 $2.046500000e+03, v0;
	_ =	sdelay $0x1  }
0x71: {  	v1 =	vtrunc.f32 v0  }
0x72: {  	v1 =	vcvt.f32.s32 v1  }
0x73: {  	s30 =	simm.s32 $0x10  }
0x74: {  	v2 =	vld [tilespmem:s30+$0x3900];
	v3 =	vcvt.s32.f32 v1;
	_ =	sdelay $0x1  }
0x75: {  	v0 =	vsub.f32 v0, v3;
	_ =	sdelay $0x1  }
0x76: {  	vm0 =	vgt.s32 v1, $0x0;
	v3 =	vmul.f32 v0, v0  }
0x77: {  	v2 =	vadd.f32 $1.000488640e+00, v2;
	v1 =	vnsel vm0, $0x0, v1  }
0x78: {  	v1 =	vmin.u32 v1, $0xFFC;
	v4 =	vmul.f32 v3, v0  }
0x79: {  	v2 =	vadd.f32 $-4.886391690e-04, v2;
	v7 =	vadd.s32 $0x1, v1  }
0x7a: {  	v5 =	vsub.f32 v3, v0;
	v0 =	vmul.f32 $1.666666720e-01, v4;
	v4 =	vmul.f32 $5.000000000e-01, v4  }
0x7b: {  	v11 =	vmul.f32 $2.046500000e+03, v2;
	v8 =	vadd.s32 $0x2, v1  }
0x7c: {  	v2 =	vsub.f32 v4, v3;
	v3 =	vsub.f32 $1.666666720e-01, v0;
	v4 =	vmul.f32 $5.000000000e-01, v5  }
0x7d: {  	v9 =	vtrunc.f32 v11  }
0x7e: {  	v7 =	vld.idx.msk [tilespmem:v7+s3+$0x0], $0xffff;
	v5 =	vadd.s32 $0x3, v1;
	v2 =	vadd.f32 $6.666666860e-01, v2;
	v6 =	vadd.f32 v3, v4  }
0x7f: {  	v1 =	vld.idx.msk [tilespmem:v1+s3+$0x0], $0xffff;
	v3 =	vcvt.f32.s32 v9  }
0x80: {  	v4 =	vadd.f32 v2, v6  }
0x81: {  	s31 =	simm.s32 $0x20;
	v8 =	vld.idx.msk [tilespmem:v8+s3+$0x0], $0xffff;
	v12 =	vcvt.s32.f32 v3  }
0x82: {  	v9 =	vld [tilespmem:s31+$0x3900];
	v10 =	vadd.f32 v4, v0  }
0x83: {  	s0 =	simm.s32 $0xC0;
	vm0 =	vgt.s32 v3, $0x0;
	v5 =	vld.idx.msk [tilespmem:v5+s3+$0x0], $0xffff;
	v4 =	vsub.f32 v11, v12  }
.LBB2_4:
0x84: {  	p1 =	sne.s32 s0, $0xA280;
	v10 =	vsub.f32 $1.000000000e+00, v10;
	v1 =	vmul.f32 v6, v1;
	v2 =	vmul.f32 v2, v7  }
0x85: {  	v3 =	vnsel vm0, $0x0, v3  }
0x86: {  	v6 =	vmul.f32 v4, v4;
	v1 =	vadd.f32 v2, v1;
	v2 =	vmul.f32 v10, v8  }
0x87: {  	v3 =	vmin.u32 v3, $0xFFC;
	v7 =	vadd.f32 $1.000488640e+00, v9  }
0x88: {  	v8 =	vmul.f32 v6, v4;
	v1 =	vadd.f32 v2, v1;
	v2 =	vmul.f32 v0, v5  }
0x89: {  	v4 =	vsub.f32 v6, v4;
	v5 =	vadd.f32 $-4.886391690e-04, v7;
	v7 =	vadd.s32 $0x1, v3  }
0x8a: {  	v0 =	vmul.f32 $1.666666720e-01, v8;
	v8 =	vmul.f32 $5.000000000e-01, v8;
	v1 =	vadd.f32 v1, v2  }
0x8b: {  	v11 =	vmul.f32 $2.046500000e+03, v5;
	v5 =	vadd.s32 $0x2, v3  }
0x8c: {  	v4 =	vmul.f32 $5.000000000e-01, v4;
	v2 =	vsub.f32 v8, v6;
	v6 =	vsub.f32 $1.666666720e-01, v0;
	[tilespmem:s1+$0x8B00] =	vst v1;
	s1 =	smov.u32 s30;
	s30 =	smov.u32 s31  }
0x8d: {  	v12 =	vadd.s32 $0x3, v3;
	v1 =	vld.idx.msk [tilespmem:v3+s3+$0x0], $0xffff  }
0x8e: {  	v3 =	vtrunc.f32 v11;
	v2 =	vadd.f32 $6.666666860e-01, v2;
	v6 =	vadd.f32 v6, v4;
	v7 =	vld.idx.msk [tilespmem:v7+s3+$0x0], $0xffff  }
.Ltmp1:
0x8f: {  	v3 =	vcvt.f32.s32 v3;
	(pc) =	sbr.rel @p1 .LBB2_4-.Ltmp1, $4  }
0x90: {  	s31 =	sshra.s32 s0, $0x2;
	v4 =	vadd.f32 v2, v6;
	v8 =	vld.idx.msk [tilespmem:v5+s3+$0x0], $0xffff  }
0x91: {  	v13 =	vcvt.s32.f32 v3;
	v9 =	vld [tilespmem:s31+$0x3900]  }
0x92: {  	v10 =	vadd.f32 v4, v0;
	v5 =	vld.idx.msk [tilespmem:v12+s3+$0x0], $0xffff  }
0x93: {  	s0 =	sadd.s32 $0x40, s0;
	vm0 =	vgt.s32 v3, $0x0;
	v4 =	vsub.f32 v11, v13  }
0x94: {  	v10 =	vsub.f32 $1.000000000e+00, v10;
	v1 =	vmul.f32 v6, v1;
	v2 =	vmul.f32 v2, v7  }
0x95: {  	v3 =	vnsel vm0, $0x0, v3;
	v6 =	vmul.f32 v4, v4  }
0x96: {  	v1 =	vadd.f32 v2, v1;
	v2 =	vmul.f32 v10, v8;
	v7 =	vadd.f32 $1.000488640e+00, v9  }
0x97: {  	v3 =	vmin.u32 v3, $0xFFC;
	v8 =	vmul.f32 v6, v4;
	v4 =	vsub.f32 v6, v4  }
0x98: {  	v0 =	vmul.f32 v0, v5;
	v1 =	vadd.f32 v2, v1;
	v2 =	vadd.f32 $-4.886391690e-04, v7  }
0x99: {  	v5 =	vadd.s32 $0x1, v3;
	v7 =	vmul.f32 $1.666666720e-01, v8;
	v8 =	vmul.f32 $5.000000000e-01, v8  }
0x9a: {  	v4 =	vmul.f32 $5.000000000e-01, v4;
	v0 =	vadd.f32 v1, v0;
	v1 =	vmul.f32 $2.046500000e+03, v2  }
0x9b: {  	v2 =	vadd.s32 $0x2, v3;
	v6 =	vsub.f32 v8, v6;
	v8 =	vsub.f32 $1.666666720e-01, v7  }
0x9c: {  	[tilespmem:s1+$0x8B00] =	vst v0;
	v0 =	vadd.s32 $0x3, v3  }
0x9d: {  	v9 =	vtrunc.f32 v1;
	v3 =	vld.idx.msk [tilespmem:v3+s3+$0x0], $0xffff;
	v6 =	vadd.f32 $6.666666860e-01, v6;
	v4 =	vadd.f32 v8, v4  }
0x9e: {  	v5 =	vld.idx.msk [tilespmem:v5+s3+$0x0], $0xffff;
	v8 =	vcvt.f32.s32 v9  }
0x9f: {  	v9 =	vadd.f32 v6, v4  }
0xa0: {  	v2 =	vld.idx.msk [tilespmem:v2+s3+$0x0], $0xffff;
	v10 =	vcvt.s32.f32 v8  }
0xa1: {  	v9 =	vadd.f32 v9, v7  }
0xa2: {  	v0 =	vld.idx.msk [tilespmem:v0+s3+$0x0], $0xffff;
	v1 =	vsub.f32 v1, v10  }
0xa3: {  	v3 =	vmul.f32 v4, v3;
	v4 =	vmul.f32 v6, v5;
	v9 =	vsub.f32 $1.000000000e+00, v9  }
0xa4: {  	vm0 =	vgt.s32 v8, $0x0;
	v5 =	vmul.f32 v1, v1  }
0xa5: {  	v6 =	vnsel vm0, $0x0, v8;
	v3 =	vadd.f32 v4, v3;
	v2 =	vmul.f32 v9, v2  }
0xa6: {  	v4 =	vmin.u32 v6, $0xFFC;
	v6 =	vmul.f32 v5, v1  }
0xa7: {  	v1 =	vsub.f32 v5, v1;
	v0 =	vmul.f32 v7, v0;
	v2 =	vadd.f32 v2, v3  }
0xa8: {  	v3 =	vadd.s32 $0x1, v4;
	v7 =	vmul.f32 $1.666666720e-01, v6;
	v6 =	vmul.f32 $5.000000000e-01, v6  }
0xa9: {  	v1 =	vmul.f32 $5.000000000e-01, v1;
	v0 =	vadd.f32 v2, v0  }
0xaa: {  	v2 =	vadd.s32 $0x2, v4;
	v5 =	vsub.f32 v6, v5;
	v6 =	vsub.f32 $1.666666720e-01, v7  }
0xab: {  	[tilespmem:s30+$0x8B00] =	vst v0  }
0xac: {  	v5 =	vadd.f32 $6.666666860e-01, v5;
	v1 =	vadd.f32 v6, v1;
	v0 =	vld.idx.msk [tilespmem:v4+s3+$0x0], $0xffff;
	v4 =	vadd.s32 $0x3, v4  }
0xad: {  	v3 =	vld.idx.msk [tilespmem:v3+s3+$0x0], $0xffff  }
0xae: {  	v6 =	vadd.f32 v5, v1  }
0xaf: {  	v2 =	vld.idx.msk [tilespmem:v2+s3+$0x0], $0xffff  }
0xb0: {  	v6 =	vadd.f32 v6, v7  }
0xb1: {  	v4 =	vld.idx.msk [tilespmem:v4+s3+$0x0], $0xffff  }
0xb2: {  	v6 =	vsub.f32 $1.000000000e+00, v6;
	v0 =	vmul.f32 v1, v0;
	v1 =	vmul.f32 v5, v3;
	_ =	sdelay $0x1  }
0xb3: {  	v0 =	vadd.f32 v1, v0;
	v1 =	vmul.f32 v6, v2;
	_ =	sdelay $0x1  }
0xb4: {  	v0 =	vadd.f32 v1, v0;
	v1 =	vmul.f32 v7, v4;
	_ =	sdelay $0x1  }
0xb5: {  	v0 =	vadd.f32 v0, v1;
	_ =	sdelay $0x1  }
0xb6: {  	s0 =	simm.s32 $0x0;
	[tilespmem:s31+$0x8B00] =	vst v0  }
0xb7: {  	[hbm4b:s8+s0] =	stream.linear.scatter [tilespmem:s25], [sflag:$0x4], $0x28B0, $0x38;
	[tilespmem:$0xB400] =	vst v63  }
0xb8: {  	_ = 	snop  }
0xb9: {  	[tilespmem:s21], [sflag:$0x2] =	stream.linear.gather [hbm4b:s9+s0], $0x28B0, $0x38;
	[tilespmem:$0xB400] =	vst v63  }
0xba: {  	_ =	swait.ge [sflag:s22], $0x28B0  }
0xbb: {  	[sflag:s22] =	ssyncset.done $0x0  }
0xbc: {  	[sflag:s22] =	ssyncadd.s32 $0xFFFFD750  }
0xbd: {  	_ =	swait.ge [sflag:s26], $0x28B0  }
0xbe: {  	[sflag:s26] =	ssyncset.done $0x0  }
0xbf: {  	s1 =	simm.s32 $0x0;
	[sflag:s26] =	ssyncadd.s32 $0xFFFFD750  }
0xc0: {  	v0 =	vld [tilespmem:s1+$0x1000];
	_ =	sdelay $0x4  }
0xc1: {  	v0 =	vadd.f32 $1.000488640e+00, v0;
	_ =	sdelay $0x1  }
0xc2: {  	v0 =	vadd.f32 $-4.886391690e-04, v0;
	_ =	sdelay $0x1  }
0xc3: {  	v0 =	vmul.f32 $2.046500000e+03, v0;
	_ =	sdelay $0x1  }
0xc4: {  	v1 =	vtrunc.f32 v0  }
0xc5: {  	v1 =	vcvt.f32.s32 v1  }
0xc6: {  	s30 =	simm.s32 $0x10  }
0xc7: {  	v2 =	vld [tilespmem:s30+$0x1000];
	v3 =	vcvt.s32.f32 v1;
	_ =	sdelay $0x1  }
0xc8: {  	v0 =	vsub.f32 v0, v3;
	_ =	sdelay $0x1  }
0xc9: {  	vm0 =	vgt.s32 v1, $0x0;
	v3 =	vmul.f32 v0, v0  }
0xca: {  	v2 =	vadd.f32 $1.000488640e+00, v2;
	v1 =	vnsel vm0, $0x0, v1  }
0xcb: {  	v1 =	vmin.u32 v1, $0xFFC;
	v4 =	vmul.f32 v3, v0  }
0xcc: {  	v2 =	vadd.f32 $-4.886391690e-04, v2;
	v7 =	vadd.s32 $0x1, v1  }
0xcd: {  	v5 =	vsub.f32 v3, v0;
	v0 =	vmul.f32 $1.666666720e-01, v4;
	v4 =	vmul.f32 $5.000000000e-01, v4  }
0xce: {  	v11 =	vmul.f32 $2.046500000e+03, v2;
	v8 =	vadd.s32 $0x2, v1  }
0xcf: {  	v2 =	vsub.f32 v4, v3;
	v3 =	vsub.f32 $1.666666720e-01, v0;
	v4 =	vmul.f32 $5.000000000e-01, v5  }
0xd0: {  	v9 =	vtrunc.f32 v11  }
0xd1: {  	v7 =	vld.idx.msk [tilespmem:v7+s3+$0x0], $0xffff;
	v5 =	vadd.s32 $0x3, v1;
	v2 =	vadd.f32 $6.666666860e-01, v2;
	v6 =	vadd.f32 v3, v4  }
0xd2: {  	v1 =	vld.idx.msk [tilespmem:v1+s3+$0x0], $0xffff;
	v3 =	vcvt.f32.s32 v9  }
0xd3: {  	v4 =	vadd.f32 v2, v6  }
0xd4: {  	s31 =	simm.s32 $0x20;
	v8 =	vld.idx.msk [tilespmem:v8+s3+$0x0], $0xffff;
	v12 =	vcvt.s32.f32 v3  }
0xd5: {  	v9 =	vld [tilespmem:s31+$0x1000];
	v10 =	vadd.f32 v4, v0  }
0xd6: {  	s0 =	simm.s32 $0xC0;
	vm0 =	vgt.s32 v3, $0x0;
	v5 =	vld.idx.msk [tilespmem:v5+s3+$0x0], $0xffff;
	v4 =	vsub.f32 v11, v12  }
.LBB2_6:
0xd7: {  	p1 =	sne.s32 s0, $0xA280;
	v10 =	vsub.f32 $1.000000000e+00, v10;
	v1 =	vmul.f32 v6, v1;
	v2 =	vmul.f32 v2, v7  }
0xd8: {  	v3 =	vnsel vm0, $0x0, v3  }
0xd9: {  	v6 =	vmul.f32 v4, v4;
	v1 =	vadd.f32 v2, v1;
	v2 =	vmul.f32 v10, v8  }
0xda: {  	v3 =	vmin.u32 v3, $0xFFC;
	v7 =	vadd.f32 $1.000488640e+00, v9  }
0xdb: {  	v8 =	vmul.f32 v6, v4;
	v1 =	vadd.f32 v2, v1;
	v2 =	vmul.f32 v0, v5  }
0xdc: {  	v4 =	vsub.f32 v6, v4;
	v5 =	vadd.f32 $-4.886391690e-04, v7;
	v7 =	vadd.s32 $0x1, v3  }
0xdd: {  	v0 =	vmul.f32 $1.666666720e-01, v8;
	v8 =	vmul.f32 $5.000000000e-01, v8;
	v1 =	vadd.f32 v1, v2  }
0xde: {  	v11 =	vmul.f32 $2.046500000e+03, v5;
	v5 =	vadd.s32 $0x2, v3  }
0xdf: {  	v4 =	vmul.f32 $5.000000000e-01, v4;
	v2 =	vsub.f32 v8, v6;
	v6 =	vsub.f32 $1.666666720e-01, v0;
	[tilespmem:s1+$0x6200] =	vst v1;
	s1 =	smov.u32 s30;
	s30 =	smov.u32 s31  }
0xe0: {  	v12 =	vadd.s32 $0x3, v3;
	v1 =	vld.idx.msk [tilespmem:v3+s3+$0x0], $0xffff  }
0xe1: {  	v3 =	vtrunc.f32 v11;
	v2 =	vadd.f32 $6.666666860e-01, v2;
	v6 =	vadd.f32 v6, v4;
	v7 =	vld.idx.msk [tilespmem:v7+s3+$0x0], $0xffff  }
.Ltmp2:
0xe2: {  	v3 =	vcvt.f32.s32 v3;
	(pc) =	sbr.rel @p1 .LBB2_6-.Ltmp2, $4  }
0xe3: {  	s31 =	sshra.s32 s0, $0x2;
	v4 =	vadd.f32 v2, v6;
	v8 =	vld.idx.msk [tilespmem:v5+s3+$0x0], $0xffff  }
0xe4: {  	v13 =	vcvt.s32.f32 v3;
	v9 =	vld [tilespmem:s31+$0x1000]  }
0xe5: {  	v10 =	vadd.f32 v4, v0;
	v5 =	vld.idx.msk [tilespmem:v12+s3+$0x0], $0xffff  }
0xe6: {  	s0 =	sadd.s32 $0x40, s0;
	vm0 =	vgt.s32 v3, $0x0;
	v4 =	vsub.f32 v11, v13  }
0xe7: {  	v10 =	vsub.f32 $1.000000000e+00, v10;
	v1 =	vmul.f32 v6, v1;
	v2 =	vmul.f32 v2, v7  }
0xe8: {  	v3 =	vnsel vm0, $0x0, v3;
	v6 =	vmul.f32 v4, v4  }
0xe9: {  	v1 =	vadd.f32 v2, v1;
	v2 =	vmul.f32 v10, v8;
	v7 =	vadd.f32 $1.000488640e+00, v9  }
0xea: {  	v3 =	vmin.u32 v3, $0xFFC;
	v8 =	vmul.f32 v6, v4;
	v4 =	vsub.f32 v6, v4  }
0xeb: {  	v0 =	vmul.f32 v0, v5;
	v1 =	vadd.f32 v2, v1;
	v2 =	vadd.f32 $-4.886391690e-04, v7  }
0xec: {  	v5 =	vadd.s32 $0x1, v3;
	v7 =	vmul.f32 $1.666666720e-01, v8;
	v8 =	vmul.f32 $5.000000000e-01, v8  }
0xed: {  	v4 =	vmul.f32 $5.000000000e-01, v4;
	v0 =	vadd.f32 v1, v0;
	v1 =	vmul.f32 $2.046500000e+03, v2  }
0xee: {  	v2 =	vadd.s32 $0x2, v3;
	v6 =	vsub.f32 v8, v6;
	v8 =	vsub.f32 $1.666666720e-01, v7  }
0xef: {  	[tilespmem:s1+$0x6200] =	vst v0;
	v0 =	vadd.s32 $0x3, v3  }
0xf0: {  	v9 =	vtrunc.f32 v1;
	v3 =	vld.idx.msk [tilespmem:v3+s3+$0x0], $0xffff;
	v6 =	vadd.f32 $6.666666860e-01, v6;
	v4 =	vadd.f32 v8, v4  }
0xf1: {  	v5 =	vld.idx.msk [tilespmem:v5+s3+$0x0], $0xffff;
	v8 =	vcvt.f32.s32 v9  }
0xf2: {  	v9 =	vadd.f32 v6, v4  }
0xf3: {  	v2 =	vld.idx.msk [tilespmem:v2+s3+$0x0], $0xffff;
	v10 =	vcvt.s32.f32 v8  }
0xf4: {  	v9 =	vadd.f32 v9, v7  }
0xf5: {  	v0 =	vld.idx.msk [tilespmem:v0+s3+$0x0], $0xffff;
	v1 =	vsub.f32 v1, v10  }
0xf6: {  	v3 =	vmul.f32 v4, v3;
	v4 =	vmul.f32 v6, v5;
	v9 =	vsub.f32 $1.000000000e+00, v9  }
0xf7: {  	vm0 =	vgt.s32 v8, $0x0;
	v5 =	vmul.f32 v1, v1  }
0xf8: {  	v6 =	vnsel vm0, $0x0, v8;
	v3 =	vadd.f32 v4, v3;
	v2 =	vmul.f32 v9, v2  }
0xf9: {  	v4 =	vmin.u32 v6, $0xFFC;
	v6 =	vmul.f32 v5, v1  }
0xfa: {  	v1 =	vsub.f32 v5, v1;
	v0 =	vmul.f32 v7, v0;
	v2 =	vadd.f32 v2, v3  }
0xfb: {  	v3 =	vadd.s32 $0x1, v4;
	v7 =	vmul.f32 $1.666666720e-01, v6;
	v6 =	vmul.f32 $5.000000000e-01, v6  }
0xfc: {  	v1 =	vmul.f32 $5.000000000e-01, v1;
	v0 =	vadd.f32 v2, v0  }
0xfd: {  	v2 =	vadd.s32 $0x2, v4;
	v5 =	vsub.f32 v6, v5;
	v6 =	vsub.f32 $1.666666720e-01, v7  }
0xfe: {  	[tilespmem:s30+$0x6200] =	vst v0  }
0xff: {  	v5 =	vadd.f32 $6.666666860e-01, v5;
	v1 =	vadd.f32 v6, v1;
	v0 =	vld.idx.msk [tilespmem:v4+s3+$0x0], $0xffff;
	v4 =	vadd.s32 $0x3, v4  }
0x100: {  	v3 =	vld.idx.msk [tilespmem:v3+s3+$0x0], $0xffff  }
0x101: {  	v6 =	vadd.f32 v5, v1  }
0x102: {  	v2 =	vld.idx.msk [tilespmem:v2+s3+$0x0], $0xffff  }
0x103: {  	v6 =	vadd.f32 v6, v7  }
0x104: {  	v4 =	vld.idx.msk [tilespmem:v4+s3+$0x0], $0xffff  }
0x105: {  	v6 =	vsub.f32 $1.000000000e+00, v6;
	v0 =	vmul.f32 v1, v0;
	v1 =	vmul.f32 v5, v3;
	_ =	sdelay $0x1  }
0x106: {  	v0 =	vadd.f32 v1, v0;
	v1 =	vmul.f32 v6, v2;
	_ =	sdelay $0x1  }
0x107: {  	v0 =	vadd.f32 v1, v0;
	v1 =	vmul.f32 v7, v4;
	_ =	sdelay $0x1  }
0x108: {  	v0 =	vadd.f32 v0, v1;
	_ =	sdelay $0x1  }
0x109: {  	s0 =	simm.s32 $0x0;
	[tilespmem:s31+$0x6200] =	vst v0  }
0x10a: {  	[hbm4b:s10+s0] =	stream.linear.scatter [tilespmem:s23], [sflag:$0x3], $0x28B0, $0x38;
	[tilespmem:$0xB400] =	vst v63  }
0x10b: {  	_ = 	snop  }
0x10c: {  	[tilespmem:s19], [sflag:$0x1] =	stream.linear.gather [hbm4b:s11+s0], $0x28B0, $0x38;
	[tilespmem:$0xB400] =	vst v63  }
0x10d: {  	_ =	swait.ge [sflag:s24], $0x28B0  }
0x10e: {  	[sflag:s24] =	ssyncset.done $0x0  }
0x10f: {  	[sflag:s24] =	ssyncadd.s32 $0xFFFFD750  }
0x110: {  	_ =	swait.ge [sflag:s28], $0x28B0  }
0x111: {  	[sflag:s28] =	ssyncset.done $0x0  }
0x112: {  	s1 =	simm.s32 $0x0;
	[sflag:s28] =	ssyncadd.s32 $0xFFFFD750  }
0x113: {  	v0 =	vld [tilespmem:s1+$0x3900];
	_ =	sdelay $0x4  }
0x114: {  	v0 =	vadd.f32 $1.000488640e+00, v0;
	_ =	sdelay $0x1  }
0x115: {  	v0 =	vadd.f32 $-4.886391690e-04, v0;
	_ =	sdelay $0x1  }
0x116: {  	v0 =	vmul.f32 $2.046500000e+03, v0;
	_ =	sdelay $0x1  }
0x117: {  	v1 =	vtrunc.f32 v0  }
0x118: {  	v1 =	vcvt.f32.s32 v1  }
0x119: {  	s30 =	simm.s32 $0x10  }
0x11a: {  	v2 =	vld [tilespmem:s30+$0x3900];
	v3 =	vcvt.s32.f32 v1;
	_ =	sdelay $0x1  }
0x11b: {  	v0 =	vsub.f32 v0, v3;
	_ =	sdelay $0x1  }
0x11c: {  	vm0 =	vgt.s32 v1, $0x0;
	v3 =	vmul.f32 v0, v0  }
0x11d: {  	v2 =	vadd.f32 $1.000488640e+00, v2;
	v1 =	vnsel vm0, $0x0, v1  }
0x11e: {  	v1 =	vmin.u32 v1, $0xFFC;
	v4 =	vmul.f32 v3, v0  }
0x11f: {  	v2 =	vadd.f32 $-4.886391690e-04, v2;
	v7 =	vadd.s32 $0x1, v1  }
0x120: {  	v5 =	vsub.f32 v3, v0;
	v0 =	vmul.f32 $1.666666720e-01, v4;
	v4 =	vmul.f32 $5.000000000e-01, v4  }
0x121: {  	v11 =	vmul.f32 $2.046500000e+03, v2;
	v8 =	vadd.s32 $0x2, v1  }
0x122: {  	v2 =	vsub.f32 v4, v3;
	v3 =	vsub.f32 $1.666666720e-01, v0;
	v4 =	vmul.f32 $5.000000000e-01, v5  }
0x123: {  	v9 =	vtrunc.f32 v11  }
0x124: {  	v7 =	vld.idx.msk [tilespmem:v7+s3+$0x0], $0xffff;
	v5 =	vadd.s32 $0x3, v1;
	v2 =	vadd.f32 $6.666666860e-01, v2;
	v6 =	vadd.f32 v3, v4  }
0x125: {  	v1 =	vld.idx.msk [tilespmem:v1+s3+$0x0], $0xffff;
	v3 =	vcvt.f32.s32 v9  }
0x126: {  	v4 =	vadd.f32 v2, v6  }
0x127: {  	s31 =	simm.s32 $0x20;
	v8 =	vld.idx.msk [tilespmem:v8+s3+$0x0], $0xffff;
	v12 =	vcvt.s32.f32 v3  }
0x128: {  	v9 =	vld [tilespmem:s31+$0x3900];
	v10 =	vadd.f32 v4, v0  }
0x129: {  	s0 =	simm.s32 $0xC0;
	vm0 =	vgt.s32 v3, $0x0;
	v5 =	vld.idx.msk [tilespmem:v5+s3+$0x0], $0xffff;
	v4 =	vsub.f32 v11, v12  }
.LBB2_8:
0x12a: {  	p1 =	sne.s32 s0, $0xA280;
	v10 =	vsub.f32 $1.000000000e+00, v10;
	v1 =	vmul.f32 v6, v1;
	v2 =	vmul.f32 v2, v7  }
0x12b: {  	v3 =	vnsel vm0, $0x0, v3  }
0x12c: {  	v6 =	vmul.f32 v4, v4;
	v1 =	vadd.f32 v2, v1;
	v2 =	vmul.f32 v10, v8  }
0x12d: {  	v3 =	vmin.u32 v3, $0xFFC;
	v7 =	vadd.f32 $1.000488640e+00, v9  }
0x12e: {  	v8 =	vmul.f32 v6, v4;
	v1 =	vadd.f32 v2, v1;
	v2 =	vmul.f32 v0, v5  }
0x12f: {  	v4 =	vsub.f32 v6, v4;
	v5 =	vadd.f32 $-4.886391690e-04, v7;
	v7 =	vadd.s32 $0x1, v3  }
0x130: {  	v0 =	vmul.f32 $1.666666720e-01, v8;
	v8 =	vmul.f32 $5.000000000e-01, v8;
	v1 =	vadd.f32 v1, v2  }
0x131: {  	v11 =	vmul.f32 $2.046500000e+03, v5;
	v5 =	vadd.s32 $0x2, v3  }
0x132: {  	v4 =	vmul.f32 $5.000000000e-01, v4;
	v2 =	vsub.f32 v8, v6;
	v6 =	vsub.f32 $1.666666720e-01, v0;
	[tilespmem:s1+$0x8B00] =	vst v1;
	s1 =	smov.u32 s30;
	s30 =	smov.u32 s31  }
0x133: {  	v12 =	vadd.s32 $0x3, v3;
	v1 =	vld.idx.msk [tilespmem:v3+s3+$0x0], $0xffff  }
0x134: {  	v3 =	vtrunc.f32 v11;
	v2 =	vadd.f32 $6.666666860e-01, v2;
	v6 =	vadd.f32 v6, v4;
	v7 =	vld.idx.msk [tilespmem:v7+s3+$0x0], $0xffff  }
.Ltmp3:
0x135: {  	v3 =	vcvt.f32.s32 v3;
	(pc) =	sbr.rel @p1 .LBB2_8-.Ltmp3, $4  }
0x136: {  	s31 =	sshra.s32 s0, $0x2;
	v4 =	vadd.f32 v2, v6;
	v8 =	vld.idx.msk [tilespmem:v5+s3+$0x0], $0xffff  }
0x137: {  	v13 =	vcvt.s32.f32 v3;
	v9 =	vld [tilespmem:s31+$0x3900]  }
0x138: {  	v10 =	vadd.f32 v4, v0;
	v5 =	vld.idx.msk [tilespmem:v12+s3+$0x0], $0xffff  }
0x139: {  	s0 =	sadd.s32 $0x40, s0;
	vm0 =	vgt.s32 v3, $0x0;
	v4 =	vsub.f32 v11, v13  }
0x13a: {  	v10 =	vsub.f32 $1.000000000e+00, v10;
	v1 =	vmul.f32 v6, v1;
	v2 =	vmul.f32 v2, v7  }
0x13b: {  	v3 =	vnsel vm0, $0x0, v3;
	v6 =	vmul.f32 v4, v4  }
0x13c: {  	v1 =	vadd.f32 v2, v1;
	v2 =	vmul.f32 v10, v8;
	v7 =	vadd.f32 $1.000488640e+00, v9  }
0x13d: {  	v3 =	vmin.u32 v3, $0xFFC;
	v8 =	vmul.f32 v6, v4;
	v4 =	vsub.f32 v6, v4  }
0x13e: {  	v0 =	vmul.f32 v0, v5;
	v1 =	vadd.f32 v2, v1;
	v2 =	vadd.f32 $-4.886391690e-04, v7  }
0x13f: {  	v5 =	vadd.s32 $0x1, v3;
	v7 =	vmul.f32 $1.666666720e-01, v8;
	v8 =	vmul.f32 $5.000000000e-01, v8  }
0x140: {  	v4 =	vmul.f32 $5.000000000e-01, v4;
	v0 =	vadd.f32 v1, v0;
	v1 =	vmul.f32 $2.046500000e+03, v2  }
0x141: {  	v2 =	vadd.s32 $0x2, v3;
	v6 =	vsub.f32 v8, v6;
	v8 =	vsub.f32 $1.666666720e-01, v7  }
0x142: {  	[tilespmem:s1+$0x8B00] =	vst v0;
	v0 =	vadd.s32 $0x3, v3  }
0x143: {  	v9 =	vtrunc.f32 v1;
	v3 =	vld.idx.msk [tilespmem:v3+s3+$0x0], $0xffff;
	v6 =	vadd.f32 $6.666666860e-01, v6;
	v4 =	vadd.f32 v8, v4  }
0x144: {  	v5 =	vld.idx.msk [tilespmem:v5+s3+$0x0], $0xffff;
	v8 =	vcvt.f32.s32 v9  }
0x145: {  	v9 =	vadd.f32 v6, v4  }
0x146: {  	v2 =	vld.idx.msk [tilespmem:v2+s3+$0x0], $0xffff;
	v10 =	vcvt.s32.f32 v8  }
0x147: {  	v9 =	vadd.f32 v9, v7  }
0x148: {  	v0 =	vld.idx.msk [tilespmem:v0+s3+$0x0], $0xffff;
	v1 =	vsub.f32 v1, v10  }
0x149: {  	v3 =	vmul.f32 v4, v3;
	v4 =	vmul.f32 v6, v5;
	v9 =	vsub.f32 $1.000000000e+00, v9  }
0x14a: {  	vm0 =	vgt.s32 v8, $0x0;
	v5 =	vmul.f32 v1, v1  }
0x14b: {  	v6 =	vnsel vm0, $0x0, v8;
	v3 =	vadd.f32 v4, v3;
	v2 =	vmul.f32 v9, v2  }
0x14c: {  	v4 =	vmin.u32 v6, $0xFFC;
	v6 =	vmul.f32 v5, v1  }
0x14d: {  	v1 =	vsub.f32 v5, v1;
	v0 =	vmul.f32 v7, v0;
	v2 =	vadd.f32 v2, v3  }
0x14e: {  	v3 =	vadd.s32 $0x1, v4;
	v7 =	vmul.f32 $1.666666720e-01, v6;
	v6 =	vmul.f32 $5.000000000e-01, v6  }
0x14f: {  	v1 =	vmul.f32 $5.000000000e-01, v1;
	v0 =	vadd.f32 v2, v0  }
0x150: {  	v2 =	vadd.s32 $0x2, v4;
	v5 =	vsub.f32 v6, v5;
	v6 =	vsub.f32 $1.666666720e-01, v7  }
0x151: {  	[tilespmem:s30+$0x8B00] =	vst v0  }
0x152: {  	v5 =	vadd.f32 $6.666666860e-01, v5;
	v1 =	vadd.f32 v6, v1;
	v0 =	vld.idx.msk [tilespmem:v4+s3+$0x0], $0xffff;
	v4 =	vadd.s32 $0x3, v4  }
0x153: {  	v3 =	vld.idx.msk [tilespmem:v3+s3+$0x0], $0xffff  }
0x154: {  	v6 =	vadd.f32 v5, v1  }
0x155: {  	v2 =	vld.idx.msk [tilespmem:v2+s3+$0x0], $0xffff  }
0x156: {  	v6 =	vadd.f32 v6, v7  }
0x157: {  	v4 =	vld.idx.msk [tilespmem:v4+s3+$0x0], $0xffff  }
0x158: {  	v6 =	vsub.f32 $1.000000000e+00, v6;
	v0 =	vmul.f32 v1, v0;
	v1 =	vmul.f32 v5, v3;
	_ =	sdelay $0x1  }
0x159: {  	v0 =	vadd.f32 v1, v0;
	v1 =	vmul.f32 v6, v2;
	_ =	sdelay $0x1  }
0x15a: {  	v0 =	vadd.f32 v1, v0;
	v1 =	vmul.f32 v7, v4;
	_ =	sdelay $0x1  }
0x15b: {  	v0 =	vadd.f32 v0, v1;
	_ =	sdelay $0x1  }
0x15c: {  	s0 =	simm.s32 $0x0;
	[tilespmem:s31+$0x8B00] =	vst v0  }
0x15d: {  	[hbm4b:s12+s0] =	stream.linear.scatter [tilespmem:s25], [sflag:$0x4], $0x28B0, $0x38;
	[tilespmem:$0xB400] =	vst v63  }
0x15e: {  	_ = 	snop  }
0x15f: {  	[tilespmem:s21], [sflag:$0x2] =	stream.linear.gather [hbm4b:s13+s0], $0x28B0, $0x38;
	[tilespmem:$0xB400] =	vst v63  }
0x160: {  	_ =	swait.ge [sflag:s22], $0x28B0  }
0x161: {  	[sflag:s22] =	ssyncset.done $0x0  }
0x162: {  	[sflag:s22] =	ssyncadd.s32 $0xFFFFD750  }
0x163: {  	_ =	swait.ge [sflag:s26], $0x28B0  }
0x164: {  	[sflag:s26] =	ssyncset.done $0x0  }
0x165: {  	s1 =	simm.s32 $0x0;
	[sflag:s26] =	ssyncadd.s32 $0xFFFFD750  }
0x166: {  	v0 =	vld [tilespmem:s1+$0x1000];
	_ =	sdelay $0x4  }
0x167: {  	v0 =	vadd.f32 $1.000488640e+00, v0;
	_ =	sdelay $0x1  }
0x168: {  	v0 =	vadd.f32 $-4.886391690e-04, v0;
	_ =	sdelay $0x1  }
0x169: {  	v0 =	vmul.f32 $2.046500000e+03, v0;
	_ =	sdelay $0x1  }
0x16a: {  	v1 =	vtrunc.f32 v0  }
0x16b: {  	v1 =	vcvt.f32.s32 v1  }
0x16c: {  	s30 =	simm.s32 $0x10  }
0x16d: {  	v2 =	vld [tilespmem:s30+$0x1000];
	v3 =	vcvt.s32.f32 v1;
	_ =	sdelay $0x1  }
0x16e: {  	v0 =	vsub.f32 v0, v3;
	_ =	sdelay $0x1  }
0x16f: {  	vm0 =	vgt.s32 v1, $0x0;
	v3 =	vmul.f32 v0, v0  }
0x170: {  	v2 =	vadd.f32 $1.000488640e+00, v2;
	v1 =	vnsel vm0, $0x0, v1  }
0x171: {  	v1 =	vmin.u32 v1, $0xFFC;
	v4 =	vmul.f32 v3, v0  }
0x172: {  	v2 =	vadd.f32 $-4.886391690e-04, v2;
	v7 =	vadd.s32 $0x1, v1  }
0x173: {  	v5 =	vsub.f32 v3, v0;
	v0 =	vmul.f32 $1.666666720e-01, v4;
	v4 =	vmul.f32 $5.000000000e-01, v4  }
0x174: {  	v11 =	vmul.f32 $2.046500000e+03, v2;
	v8 =	vadd.s32 $0x2, v1  }
0x175: {  	v2 =	vsub.f32 v4, v3;
	v3 =	vsub.f32 $1.666666720e-01, v0;
	v4 =	vmul.f32 $5.000000000e-01, v5  }
0x176: {  	v9 =	vtrunc.f32 v11  }
0x177: {  	v7 =	vld.idx.msk [tilespmem:v7+s3+$0x0], $0xffff;
	v5 =	vadd.s32 $0x3, v1;
	v2 =	vadd.f32 $6.666666860e-01, v2;
	v6 =	vadd.f32 v3, v4  }
0x178: {  	v1 =	vld.idx.msk [tilespmem:v1+s3+$0x0], $0xffff;
	v3 =	vcvt.f32.s32 v9  }
0x179: {  	v4 =	vadd.f32 v2, v6  }
0x17a: {  	s31 =	simm.s32 $0x20;
	v8 =	vld.idx.msk [tilespmem:v8+s3+$0x0], $0xffff;
	v12 =	vcvt.s32.f32 v3  }
0x17b: {  	v9 =	vld [tilespmem:s31+$0x1000];
	v10 =	vadd.f32 v4, v0  }
0x17c: {  	s0 =	simm.s32 $0xC0;
	vm0 =	vgt.s32 v3, $0x0;
	v5 =	vld.idx.msk [tilespmem:v5+s3+$0x0], $0xffff;
	v4 =	vsub.f32 v11, v12  }
.LBB2_10:
0x17d: {  	p1 =	sne.s32 s0, $0xA280;
	v10 =	vsub.f32 $1.000000000e+00, v10;
	v1 =	vmul.f32 v6, v1;
	v2 =	vmul.f32 v2, v7  }
0x17e: {  	v3 =	vnsel vm0, $0x0, v3  }
0x17f: {  	v6 =	vmul.f32 v4, v4;
	v1 =	vadd.f32 v2, v1;
	v2 =	vmul.f32 v10, v8  }
0x180: {  	v3 =	vmin.u32 v3, $0xFFC;
	v7 =	vadd.f32 $1.000488640e+00, v9  }
0x181: {  	v8 =	vmul.f32 v6, v4;
	v1 =	vadd.f32 v2, v1;
	v2 =	vmul.f32 v0, v5  }
0x182: {  	v4 =	vsub.f32 v6, v4;
	v5 =	vadd.f32 $-4.886391690e-04, v7;
	v7 =	vadd.s32 $0x1, v3  }
0x183: {  	v0 =	vmul.f32 $1.666666720e-01, v8;
	v8 =	vmul.f32 $5.000000000e-01, v8;
	v1 =	vadd.f32 v1, v2  }
0x184: {  	v11 =	vmul.f32 $2.046500000e+03, v5;
	v5 =	vadd.s32 $0x2, v3  }
0x185: {  	v4 =	vmul.f32 $5.000000000e-01, v4;
	v2 =	vsub.f32 v8, v6;
	v6 =	vsub.f32 $1.666666720e-01, v0;
	[tilespmem:s1+$0x6200] =	vst v1;
	s1 =	smov.u32 s30;
	s30 =	smov.u32 s31  }
0x186: {  	v12 =	vadd.s32 $0x3, v3;
	v1 =	vld.idx.msk [tilespmem:v3+s3+$0x0], $0xffff  }
0x187: {  	v3 =	vtrunc.f32 v11;
	v2 =	vadd.f32 $6.666666860e-01, v2;
	v6 =	vadd.f32 v6, v4;
	v7 =	vld.idx.msk [tilespmem:v7+s3+$0x0], $0xffff  }
.Ltmp4:
0x188: {  	v3 =	vcvt.f32.s32 v3;
	(pc) =	sbr.rel @p1 .LBB2_10-.Ltmp4, $4  }
0x189: {  	s31 =	sshra.s32 s0, $0x2;
	v4 =	vadd.f32 v2, v6;
	v8 =	vld.idx.msk [tilespmem:v5+s3+$0x0], $0xffff  }
0x18a: {  	v13 =	vcvt.s32.f32 v3;
	v9 =	vld [tilespmem:s31+$0x1000]  }
0x18b: {  	v10 =	vadd.f32 v4, v0;
	v5 =	vld.idx.msk [tilespmem:v12+s3+$0x0], $0xffff  }
0x18c: {  	s0 =	sadd.s32 $0x40, s0;
	vm0 =	vgt.s32 v3, $0x0;
	v4 =	vsub.f32 v11, v13  }
0x18d: {  	v10 =	vsub.f32 $1.000000000e+00, v10;
	v1 =	vmul.f32 v6, v1;
	v2 =	vmul.f32 v2, v7  }
0x18e: {  	v3 =	vnsel vm0, $0x0, v3;
	v6 =	vmul.f32 v4, v4  }
0x18f: {  	v1 =	vadd.f32 v2, v1;
	v2 =	vmul.f32 v10, v8;
	v7 =	vadd.f32 $1.000488640e+00, v9  }
0x190: {  	v3 =	vmin.u32 v3, $0xFFC;
	v8 =	vmul.f32 v6, v4;
	v4 =	vsub.f32 v6, v4  }
0x191: {  	v0 =	vmul.f32 v0, v5;
	v1 =	vadd.f32 v2, v1;
	v2 =	vadd.f32 $-4.886391690e-04, v7  }
0x192: {  	v5 =	vadd.s32 $0x1, v3;
	v7 =	vmul.f32 $1.666666720e-01, v8;
	v8 =	vmul.f32 $5.000000000e-01, v8  }
0x193: {  	v4 =	vmul.f32 $5.000000000e-01, v4;
	v0 =	vadd.f32 v1, v0;
	v1 =	vmul.f32 $2.046500000e+03, v2  }
0x194: {  	v2 =	vadd.s32 $0x2, v3;
	v6 =	vsub.f32 v8, v6;
	v8 =	vsub.f32 $1.666666720e-01, v7  }
0x195: {  	[tilespmem:s1+$0x6200] =	vst v0;
	v0 =	vadd.s32 $0x3, v3  }
0x196: {  	v9 =	vtrunc.f32 v1;
	v3 =	vld.idx.msk [tilespmem:v3+s3+$0x0], $0xffff;
	v6 =	vadd.f32 $6.666666860e-01, v6;
	v4 =	vadd.f32 v8, v4  }
0x197: {  	v5 =	vld.idx.msk [tilespmem:v5+s3+$0x0], $0xffff;
	v8 =	vcvt.f32.s32 v9  }
0x198: {  	v9 =	vadd.f32 v6, v4  }
0x199: {  	v2 =	vld.idx.msk [tilespmem:v2+s3+$0x0], $0xffff;
	v10 =	vcvt.s32.f32 v8  }
0x19a: {  	v9 =	vadd.f32 v9, v7  }
0x19b: {  	v0 =	vld.idx.msk [tilespmem:v0+s3+$0x0], $0xffff;
	v1 =	vsub.f32 v1, v10  }
0x19c: {  	v3 =	vmul.f32 v4, v3;
	v4 =	vmul.f32 v6, v5;
	v9 =	vsub.f32 $1.000000000e+00, v9  }
0x19d: {  	vm0 =	vgt.s32 v8, $0x0;
	v5 =	vmul.f32 v1, v1  }
0x19e: {  	v6 =	vnsel vm0, $0x0, v8;
	v3 =	vadd.f32 v4, v3;
	v2 =	vmul.f32 v9, v2  }
0x19f: {  	v4 =	vmin.u32 v6, $0xFFC;
	v6 =	vmul.f32 v5, v1  }
0x1a0: {  	v1 =	vsub.f32 v5, v1;
	v0 =	vmul.f32 v7, v0;
	v2 =	vadd.f32 v2, v3  }
0x1a1: {  	v3 =	vadd.s32 $0x1, v4;
	v7 =	vmul.f32 $1.666666720e-01, v6;
	v6 =	vmul.f32 $5.000000000e-01, v6  }
0x1a2: {  	v1 =	vmul.f32 $5.000000000e-01, v1;
	v0 =	vadd.f32 v2, v0  }
0x1a3: {  	v2 =	vadd.s32 $0x2, v4;
	v5 =	vsub.f32 v6, v5;
	v6 =	vsub.f32 $1.666666720e-01, v7  }
0x1a4: {  	[tilespmem:s30+$0x6200] =	vst v0  }
0x1a5: {  	v5 =	vadd.f32 $6.666666860e-01, v5;
	v1 =	vadd.f32 v6, v1;
	v0 =	vld.idx.msk [tilespmem:v4+s3+$0x0], $0xffff;
	v4 =	vadd.s32 $0x3, v4  }
0x1a6: {  	v3 =	vld.idx.msk [tilespmem:v3+s3+$0x0], $0xffff  }
0x1a7: {  	v6 =	vadd.f32 v5, v1  }
0x1a8: {  	v2 =	vld.idx.msk [tilespmem:v2+s3+$0x0], $0xffff  }
0x1a9: {  	v6 =	vadd.f32 v6, v7  }
0x1aa: {  	v4 =	vld.idx.msk [tilespmem:v4+s3+$0x0], $0xffff  }
0x1ab: {  	v6 =	vsub.f32 $1.000000000e+00, v6;
	v0 =	vmul.f32 v1, v0;
	v1 =	vmul.f32 v5, v3;
	_ =	sdelay $0x1  }
0x1ac: {  	v0 =	vadd.f32 v1, v0;
	v1 =	vmul.f32 v6, v2;
	_ =	sdelay $0x1  }
0x1ad: {  	v0 =	vadd.f32 v1, v0;
	v1 =	vmul.f32 v7, v4;
	_ =	sdelay $0x1  }
0x1ae: {  	v0 =	vadd.f32 v0, v1;
	_ =	sdelay $0x1  }
0x1af: {  	s0 =	simm.s32 $0x0;
	[tilespmem:s31+$0x6200] =	vst v0  }
0x1b0: {  	[hbm4b:s14+s0] =	stream.linear.scatter [tilespmem:s23], [sflag:$0x3], $0x28B0, $0x38;
	[tilespmem:$0xB400] =	vst v63  }
0x1b1: {  	_ =	swait.ge [sflag:s24], $0x28B0  }
0x1b2: {  	[sflag:s24] =	ssyncset.done $0x0  }
0x1b3: {  	[sflag:s24] =	ssyncadd.s32 $0xFFFFD750  }
0x1b4: {  	_ =	swait.ge [sflag:s28], $0x28B0  }
0x1b5: {  	[sflag:s28] =	ssyncset.done $0x0  }
0x1b6: {  	s1 =	simm.s32 $0x0;
	[sflag:s28] =	ssyncadd.s32 $0xFFFFD750  }
0x1b7: {  	v0 =	vld [tilespmem:s1+$0x3900];
	_ =	sdelay $0x4  }
0x1b8: {  	v0 =	vadd.f32 $1.000488640e+00, v0;
	_ =	sdelay $0x1  }
0x1b9: {  	v0 =	vadd.f32 $-4.886391690e-04, v0;
	_ =	sdelay $0x1  }
0x1ba: {  	v0 =	vmul.f32 $2.046500000e+03, v0;
	_ =	sdelay $0x1  }
0x1bb: {  	v1 =	vtrunc.f32 v0  }
0x1bc: {  	v1 =	vcvt.f32.s32 v1  }
0x1bd: {  	s30 =	simm.s32 $0x10  }
0x1be: {  	v2 =	vld [tilespmem:s30+$0x3900];
	v3 =	vcvt.s32.f32 v1;
	_ =	sdelay $0x1  }
0x1bf: {  	v0 =	vsub.f32 v0, v3;
	_ =	sdelay $0x1  }
0x1c0: {  	vm0 =	vgt.s32 v1, $0x0;
	v3 =	vmul.f32 v0, v0  }
0x1c1: {  	v2 =	vadd.f32 $1.000488640e+00, v2;
	v1 =	vnsel vm0, $0x0, v1  }
0x1c2: {  	v1 =	vmin.u32 v1, $0xFFC;
	v4 =	vmul.f32 v3, v0  }
0x1c3: {  	v2 =	vadd.f32 $-4.886391690e-04, v2;
	v7 =	vadd.s32 $0x1, v1  }
0x1c4: {  	v5 =	vsub.f32 v3, v0;
	v0 =	vmul.f32 $1.666666720e-01, v4;
	v4 =	vmul.f32 $5.000000000e-01, v4  }
0x1c5: {  	v11 =	vmul.f32 $2.046500000e+03, v2;
	v8 =	vadd.s32 $0x2, v1  }
0x1c6: {  	v2 =	vsub.f32 v4, v3;
	v3 =	vsub.f32 $1.666666720e-01, v0;
	v4 =	vmul.f32 $5.000000000e-01, v5  }
0x1c7: {  	v9 =	vtrunc.f32 v11  }
0x1c8: {  	v7 =	vld.idx.msk [tilespmem:v7+s3+$0x0], $0xffff;
	v5 =	vadd.s32 $0x3, v1;
	v2 =	vadd.f32 $6.666666860e-01, v2;
	v6 =	vadd.f32 v3, v4  }
0x1c9: {  	v1 =	vld.idx.msk [tilespmem:v1+s3+$0x0], $0xffff;
	v3 =	vcvt.f32.s32 v9  }
0x1ca: {  	v4 =	vadd.f32 v2, v6  }
0x1cb: {  	s31 =	simm.s32 $0x20;
	v8 =	vld.idx.msk [tilespmem:v8+s3+$0x0], $0xffff;
	v12 =	vcvt.s32.f32 v3  }
0x1cc: {  	v9 =	vld [tilespmem:s31+$0x3900];
	v10 =	vadd.f32 v4, v0  }
0x1cd: {  	s0 =	simm.s32 $0xC0;
	vm0 =	vgt.s32 v3, $0x0;
	v5 =	vld.idx.msk [tilespmem:v5+s3+$0x0], $0xffff;
	v4 =	vsub.f32 v11, v12  }
.LBB2_12:
0x1ce: {  	p1 =	sne.s32 s0, $0xA280;
	v10 =	vsub.f32 $1.000000000e+00, v10;
	v1 =	vmul.f32 v6, v1;
	v2 =	vmul.f32 v2, v7  }
0x1cf: {  	v3 =	vnsel vm0, $0x0, v3  }
0x1d0: {  	v6 =	vmul.f32 v4, v4;
	v1 =	vadd.f32 v2, v1;
	v2 =	vmul.f32 v10, v8  }
0x1d1: {  	v3 =	vmin.u32 v3, $0xFFC;
	v7 =	vadd.f32 $1.000488640e+00, v9  }
0x1d2: {  	v8 =	vmul.f32 v6, v4;
	v1 =	vadd.f32 v2, v1;
	v2 =	vmul.f32 v0, v5  }
0x1d3: {  	v4 =	vsub.f32 v6, v4;
	v5 =	vadd.f32 $-4.886391690e-04, v7;
	v7 =	vadd.s32 $0x1, v3  }
0x1d4: {  	v0 =	vmul.f32 $1.666666720e-01, v8;
	v8 =	vmul.f32 $5.000000000e-01, v8;
	v1 =	vadd.f32 v1, v2  }
0x1d5: {  	v11 =	vmul.f32 $2.046500000e+03, v5;
	v5 =	vadd.s32 $0x2, v3  }
0x1d6: {  	v4 =	vmul.f32 $5.000000000e-01, v4;
	v2 =	vsub.f32 v8, v6;
	v6 =	vsub.f32 $1.666666720e-01, v0;
	[tilespmem:s1+$0x8B00] =	vst v1;
	s1 =	smov.u32 s30;
	s30 =	smov.u32 s31  }
0x1d7: {  	v12 =	vadd.s32 $0x3, v3;
	v1 =	vld.idx.msk [tilespmem:v3+s3+$0x0], $0xffff  }
0x1d8: {  	v3 =	vtrunc.f32 v11;
	v2 =	vadd.f32 $6.666666860e-01, v2;
	v6 =	vadd.f32 v6, v4;
	v7 =	vld.idx.msk [tilespmem:v7+s3+$0x0], $0xffff  }
.Ltmp5:
0x1d9: {  	v3 =	vcvt.f32.s32 v3;
	(pc) =	sbr.rel @p1 .LBB2_12-.Ltmp5, $4  }
0x1da: {  	s31 =	sshra.s32 s0, $0x2;
	v4 =	vadd.f32 v2, v6;
	v8 =	vld.idx.msk [tilespmem:v5+s3+$0x0], $0xffff  }
0x1db: {  	v13 =	vcvt.s32.f32 v3;
	v9 =	vld [tilespmem:s31+$0x3900]  }
0x1dc: {  	v10 =	vadd.f32 v4, v0;
	v5 =	vld.idx.msk [tilespmem:v12+s3+$0x0], $0xffff  }
0x1dd: {  	s0 =	sadd.s32 $0x40, s0;
	vm0 =	vgt.s32 v3, $0x0;
	v4 =	vsub.f32 v11, v13  }
0x1de: {  	v10 =	vsub.f32 $1.000000000e+00, v10;
	v1 =	vmul.f32 v6, v1;
	v2 =	vmul.f32 v2, v7  }
0x1df: {  	v3 =	vnsel vm0, $0x0, v3;
	v36 =	vmul.f32 v4, v4  }
0x1e0: {  	v3 =	vmin.u32 v3, $0xFFC;
	v1 =	vadd.f32 v2, v1;
	v37 =	vmul.f32 v10, v8  }
0x1e1: {  	v38 =	vadd.f32 $1.000488640e+00, v9;
	v42 =	vadd.s32 $0x1, v3;
	v39 =	vmul.f32 v36, v4  }
0x1e2: {  	v0 =	vmul.f32 v0, v5;
	v41 =	vsub.f32 v36, v4;
	v1 =	vadd.f32 v37, v1  }
0x1e3: {  	v40 =	vadd.f32 $-4.886391690e-04, v38;
	v43 =	vmul.f32 $1.666666720e-01, v39;
	v8 =	vmul.f32 $5.000000000e-01, v39  }
0x1e4: {  	v45 =	vadd.s32 $0x2, v3;
	v4 =	vmul.f32 $5.000000000e-01, v41;
	v0 =	vadd.f32 v1, v0  }
0x1e5: {  	v44 =	vmul.f32 $2.046500000e+03, v40;
	v6 =	vsub.f32 v8, v36;
	v46 =	vsub.f32 $1.666666720e-01, v43  }
0x1e6: {  	v47 =	vadd.s32 $0x3, v3;
	[tilespmem:s1+$0x8B00] =	vst v0  }
0x1e7: {  	v48 =	vtrunc.f32 v44;
	v3 =	vld.idx.msk [tilespmem:v3+s3+$0x0], $0xffff;
	v6 =	vadd.f32 $6.666666860e-01, v6;
	v4 =	vadd.f32 v46, v4  }
0x1e8: {  	v5 =	vld.idx.msk [tilespmem:v42+s3+$0x0], $0xffff;
	v49 =	vcvt.f32.s32 v48  }
0x1e9: {  	v50 =	vadd.f32 v6, v4  }
0x1ea: {  	v2 =	vld.idx.msk [tilespmem:v45+s3+$0x0], $0xffff;
	v51 =	vcvt.s32.f32 v49  }
0x1eb: {  	v9 =	vadd.f32 v50, v43  }
0x1ec: {  	v0 =	vld.idx.msk [tilespmem:v47+s3+$0x0], $0xffff;
	v1 =	vsub.f32 v44, v51  }
0x1ed: {  	v3 =	vmul.f32 v4, v3;
	v52 =	vmul.f32 v6, v5;
	v9 =	vsub.f32 $1.000000000e+00, v9  }
0x1ee: {  	vm15 =	vgt.s32 v49, $0x0;
	v53 =	vmul.f32 v1, v1  }
0x1ef: {  	v54 =	vnsel vm15, $0x0, v49;
	v3 =	vadd.f32 v52, v3;
	v2 =	vmul.f32 v9, v2  }
0x1f0: {  	v55 =	vmin.u32 v54, $0xFFC;
	v56 =	vmul.f32 v53, v1  }
0x1f1: {  	v0 =	vmul.f32 v43, v0;
	v57 =	vadd.s32 $0x1, v55;
	v2 =	vadd.f32 v2, v3  }
0x1f2: {  	v1 =	vsub.f32 v53, v1;
	v58 =	vmul.f32 $1.666666720e-01, v56;
	v6 =	vmul.f32 $5.000000000e-01, v56  }
0x1f3: {  	v59 =	vadd.s32 $0x2, v55;
	v0 =	vadd.f32 v2, v0  }
0x1f4: {  	v1 =	vmul.f32 $5.000000000e-01, v1;
	v5 =	vsub.f32 v6, v53;
	v60 =	vsub.f32 $1.666666720e-01, v58  }
0x1f5: {  	[tilespmem:s30+$0x8B00] =	vst v0  }
0x1f6: {  	v4 =	vadd.s32 $0x3, v55;
	v5 =	vadd.f32 $6.666666860e-01, v5;
	v1 =	vadd.f32 v60, v1;
	v0 =	vld.idx.msk [tilespmem:v55+s3+$0x0], $0xffff  }
0x1f7: {  	v3 =	vld.idx.msk [tilespmem:v57+s3+$0x0], $0xffff  }
0x1f8: {  	v6 =	vadd.f32 v5, v1  }
0x1f9: {  	v2 =	vld.idx.msk [tilespmem:v59+s3+$0x0], $0xffff  }
0x1fa: {  	v6 =	vadd.f32 v6, v58  }
0x1fb: {  	v4 =	vld.idx.msk [tilespmem:v4+s3+$0x0], $0xffff  }
0x1fc: {  	v6 =	vsub.f32 $1.000000000e+00, v6;
	v0 =	vmul.f32 v1, v0;
	v61 =	vmul.f32 v5, v3;
	_ =	sdelay $0x1  }
0x1fd: {  	v0 =	vadd.f32 v61, v0;
	v62 =	vmul.f32 v6, v2;
	_ =	sdelay $0x1  }
0x1fe: {  	v63 =	vmul.f32 v58, v4;
	v0 =	vadd.f32 v62, v0;
	_ =	sdelay $0x1  }
0x1ff: {  	v0 =	vadd.f32 v0, v63;
	_ =	sdelay $0x1  }
0x200: {  	[tilespmem:s31+$0x8B00] =	vst v0  }
0x201: {  	[hbm4b:s15+s3] =	stream.linear.scatter [tilespmem:s25], [sflag:$0x4], $0x28B0, $0x38;
	[tilespmem:$0xB400] =	vst v63  }
0x202: {  	_ =	swait.ge [sflag:s26], $0x28B0  }
0x203: {  	[sflag:s26] =	ssyncset.done $0x0  }
0x204: {  	[sflag:s26] =	ssyncadd.s32 $0xFFFFD750  }
0x205: {  	_ =	swait.ge [sflag:s28], $0x28B0  }
0x206: {  	[sflag:s28] =	ssyncset.done $0x0  }
0x207: {  	s0 =	simm.s32 @!p0 $0x0;
	s1 =	simm.s32 @!p0 $0x1000;
	[sflag:s28] =	ssyncadd.s32 $0xFFFFD750  }
0x208: {  	[tilespmem:s1], [sflag:$0x5] =	stream.linear.gather @!p0 [hbm4b:s16+s0], $0x10, $0x38;
	[tilespmem:$0xB400] =	vst v63  }
0x209: {  	s1 =	simm.s32 @!p0 $0x5  }
0x20a: {  	_ =	swait.ge @!p0 [sflag:s1], $0x10  }
0x20b: {  	[sflag:s1] =	ssyncset.done @!p0 $0x0  }
0x20c: {  	[sflag:s1] =	ssyncadd.s32 @!p0 $0xFFFFFFF0  }
0x20d: {  	v0 =	vld @!p0 [tilespmem:$0x1000];
	_ =	sdelay $0x4  }
0x20e: {  	v0 =	vadd.f32 @!p0 $1.000488640e+00, v0;
	_ =	sdelay $0x1  }
0x20f: {  	v0 =	vadd.f32 @!p0 $-4.886391690e-04, v0;
	_ =	sdelay $0x1  }
0x210: {  	v0 =	vmul.f32 @!p0 $2.046500000e+03, v0;
	_ =	sdelay $0x1  }
0x211: {  	v1 =	vtrunc.f32 @!p0 v0  }
0x212: {  	v1 =	vcvt.f32.s32 @!p0 v1;
	_ =	sdelay $0x1  }
0x213: {  	v2 =	vcvt.s32.f32 @!p0 v1;
	_ =	sdelay $0x1  }
0x214: {  	v0 =	vsub.f32 @!p0 v0, v2;
	_ =	sdelay $0x1  }
0x215: {  	vm0 =	vgt.s32 @!p0 v1, $0x0;
	v2 =	vmul.f32 @!p0 v0, v0  }
0x216: {  	v1 =	vnsel @!p0 vm0, $0x0, v1  }
0x217: {  	v1 =	vmin.u32 @!p0 v1, $0xFFC;
	v3 =	vmul.f32 @!p0 v2, v0  }
0x218: {  	v5 =	vadd.s32 @!p0 $0x1, v1  }
0x219: {  	v0 =	vsub.f32 @!p0 v2, v0;
	v4 =	vmul.f32 @!p0 $5.000000000e-01, v3;
	v3 =	vmul.f32 @!p0 $1.666666720e-01, v3  }
0x21a: {  	v6 =	vadd.s32 @!p0 $0x2, v1  }
0x21b: {  	v0 =	vmul.f32 @!p0 $5.000000000e-01, v0;
	v2 =	vsub.f32 @!p0 v4, v2;
	v4 =	vsub.f32 @!p0 $1.666666720e-01, v3;
	_ =	sdelay $0x1  }
0x21c: {  	v2 =	vadd.f32 @!p0 $6.666666860e-01, v2;
	v0 =	vadd.f32 @!p0 v4, v0;
	v4 =	vld.idx.msk @!p0 [tilespmem:v1+s0+$0x0], $0xffff;
	v1 =	vadd.s32 @!p0 $0x3, v1  }
0x21d: {  	v5 =	vld.idx.msk @!p0 [tilespmem:v5+s0+$0x0], $0xffff  }
0x21e: {  	v7 =	vadd.f32 @!p0 v2, v0  }
0x21f: {  	v6 =	vld.idx.msk @!p0 [tilespmem:v6+s0+$0x0], $0xffff  }
0x220: {  	v7 =	vadd.f32 @!p0 v7, v3  }
0x221: {  	v1 =	vld.idx.msk @!p0 [tilespmem:v1+s0+$0x0], $0xffff  }
0x222: {  	v2 =	vmul.f32 @!p0 v2, v5;
	v0 =	vmul.f32 @!p0 v0, v4;
	v7 =	vsub.f32 @!p0 $1.000000000e+00, v7;
	_ =	sdelay $0x1  }
0x223: {  	v0 =	vadd.f32 @!p0 v2, v0;
	v2 =	vmul.f32 @!p0 v7, v6;
	_ =	sdelay $0x1  }
0x224: {  	v0 =	vadd.f32 @!p0 v2, v0;
	v1 =	vmul.f32 @!p0 v3, v1;
	_ =	sdelay $0x1  }
0x225: {  	s29 =	sadd.s32 $0x1, s29;
	v0 =	vadd.f32 @!p0 v0, v1  }
0x226: {  	p1 =	sne.s32 s29, s18  }
.Ltmp6:
0x227: {  	s30 =	simm.s32 @!p0 $0x6200;
	[tilespmem:$0x6200] =	vst @!p0 v0;
	(pc) =	sbr.rel @p1 .LBB2_1-.Ltmp6, $4  }
0x228: {  	[hbm4b:s17+s0] =	stream.linear.scatter @!p0 [tilespmem:s30], [sflag:$0x5], $0x10, $0x38;
	[tilespmem:$0xB400] =	vst v63  }
0x229: {  	_ =	swait.ge @!p0 [sflag:s1], $0x10  }
0x22a: {  	[sflag:s1] =	ssyncset.done @!p0 $0x0  }
0x22b: {  	[sflag:s1] =	ssyncadd.s32 @!p0 $0xFFFFFFF0  }
0x22c: {  	_ =	sfence.sel $0x180000  }
0x22d: {  	[bflag:$0x0] =	sbarrier.arrive $0xFFFF  }
0x22e: {  	_ =	strace $0x90000047  }
0x22f: {  	s0 =	stileid.u32;
	[bflag:$0x2] =	sbarrier.arrive $0xFFFF  }
0x230: {  	p0 =	sne.s32 s0, $0x0;
	s0 =	rddreg [dreg:$0x3]  }
0x231: {  	s0 =	sadd.s32 @!p0 $0x100000, s0  }
0x232: {  	[sflag:s0] =	ssyncadd.tile.s32 @!p0 $0x1;
	_ =	shalt  }
.Lfunc_end2:
_tile_overlayer_lowered:
.L_overlay_start_2:
0x233: {  	(tag) =	ssettag $0x2  }
0x234: {  	s0 =	rddreg [dreg:$0x0];
	s2 =	stileid.u32  }
0x235: {  	s1 =	rddreg [dreg:$0x1];
	p0 =	sne.s32 s2, $0x0  }
0x236: {  	s3 =	rddreg [dreg:$0x2];
	[bflag:$0x3] =	sbarrier.arrive $0xFFFF;
	s2 =	simm.s32 @!p0 $0x1C05  }
0x237: {  	[timem:s3], [sflag:s2] =	dma.local @!p0 [hbm:s0], s1  }
0x238: {  	s0 =	simm.s32 @!p0 $0x5  }
0x239: {  	_ =	swait.ge @!p0 [sflag:s0], s1  }
0x23a: {  	s1 =	ssub.s32 @!p0 $0x0, s1;
	[sflag:s0] =	ssyncset.done @!p0 $0x0  }
0x23b: {  	[sflag:s0] =	ssyncadd.s32 @!p0 s1  }
0x23c: {  	[bflag:$0x3] =	sbarrier.arrive $0xFFFF  }
0x23d: {  	_ =	shalt  }

</sc_bundles>
